<compile_context>
chip_gen: v7x
topology: tpu7x:2x2x1
jax: 0.10.2.dev20260603
libtpu: 0.0.44.dev20260713+nightly
codegen_flags: <defaults>
</compile_context>

<pallas_src>
import functools

import jax
import jax.numpy as jnp
from jax import lax
from jax.experimental import pallas as pl
from jax.experimental.pallas import tpu as pltpu
from jax.experimental.pallas import tpu_sc as plsc

H, W = 512, 512
HW = H * W
B = 128
NC, NS, LANES = 2, 16, 16
UNR = 8
NACC = 2
SPB = 8
INT_MAX = 2**31 - 1


def _tc_argmax_kernel(x_ref, out_ref):
    pre = (lax.broadcasted_iota(jnp.int32, (8, W), 0) * W
           + lax.broadcasted_iota(jnp.int32, (8, W), 1))
    neg = jnp.full((8, W), -jnp.inf, jnp.float32)
    zer = jnp.zeros((8, W), jnp.int32)
    ngrp = H // 8

    for g in range(SPB):
        def body(k, carry, g=g):
            acc = list(carry)
            for t in range(UNR):
                kt = k * UNR + t
                v = x_ref[g, pl.ds(kt * 8, 8), :]
                p = t % NACC
                av, ai = acc[2 * p], acc[2 * p + 1]
                m = v > av
                acc[2 * p] = jnp.where(m, v, av)
                acc[2 * p + 1] = jnp.where(
                    m, jnp.full((8, W), kt, jnp.int32), ai)
            return tuple(acc)

        acc = list(lax.fori_loop(0, ngrp // UNR, body, (neg, zer) * NACC))
        pairs = [(acc[2 * p], acc[2 * p + 1] * (8 * W) + pre)
                 for p in range(NACC)]
        while len(pairs) > 1:
            out = []
            for q in range(0, len(pairs), 2):
                (av0, ai0), (av1, ai1) = pairs[q], pairs[q + 1]
                better = (av1 > av0) | ((av1 == av0) & (ai1 < ai0))
                out.append((jnp.where(better, av1, av0),
                            jnp.where(better, ai1, ai0)))
            pairs = out
        av, ai = pairs[0]
        m = jnp.max(av)
        cand = jnp.where(av == m, ai, jnp.int32(INT_MAX))
        out_ref[g] = jnp.broadcast_to(jnp.min(cand), (1, 128))


def _sc_gather_kernel(idx_hbm, gx, gy, outx, outy, idxv, gatv, sem):
    cid = lax.axis_index("c")
    sid = lax.axis_index("s")
    wid = sid * NC + cid

    @pl.when(wid == 0)
    def _():
        pltpu.sync_copy(idx_hbm, idxv)
        pltpu.make_async_copy(gx.at[idxv], gatv, sem).start()
        pltpu.make_async_copy(gx.at[idxv], gatv, sem).wait()
        pltpu.sync_copy(gatv, outx)
        pltpu.make_async_copy(gy.at[idxv], gatv, sem).start()
        pltpu.make_async_copy(gy.at[idxv], gatv, sem).wait()
        pltpu.sync_copy(gatv, outy)


@jax.jit
def kernel(input, grid_x, grid_y):
    xr = input.reshape(B, H, W)
    gx1 = grid_x.reshape(HW)
    gy1 = grid_y.reshape(HW)

    idx3 = pl.pallas_call(
        _tc_argmax_kernel,
        out_shape=jax.ShapeDtypeStruct((B, 1, 128), jnp.int32),
        grid=(B // SPB,),
        in_specs=[pl.BlockSpec((SPB, H, W), lambda i: (i, 0, 0))],
        out_specs=pl.BlockSpec((SPB, 1, 128), lambda i: (i, 0, 0)),
    )(xr)
    idx = idx3[:, 0, 0]

    gather = functools.partial(
        pl.kernel,
        out_type=[
            jax.ShapeDtypeStruct((B,), jnp.float32),
            jax.ShapeDtypeStruct((B,), jnp.float32),
        ],
        mesh=plsc.VectorSubcoreMesh(core_axis_name="c", subcore_axis_name="s"),
        scratch_types=[
            pltpu.VMEM((B,), jnp.int32),
            pltpu.VMEM((B,), jnp.float32),
            pltpu.SemaphoreType.DMA,
        ],
    )(_sc_gather_kernel)
    x, y = gather(idx, gx1, gy1)
    return jnp.concatenate((x.reshape(B, 1), y.reshape(B, 1)), axis=1)

# --- scband reference (transcript-rebuilt; emitter-appended) ---
"""Pipeline reference for scband-error-to-position-17927193494416 (READ-ONLY COPY).

The authoritative reference and input builder live on the scoring server;
editing this copy changes nothing except your own understanding.
"""

import jax, jax.numpy as jnp
import numpy as np

H, W = 512, 512


def make_grids():
    gx = jnp.arange(H, dtype=jnp.float32) / (H - 1) * 2 - 1
    gy = jnp.arange(W, dtype=jnp.float32) / (W - 1) * 2 - 1
    grid_x = jnp.broadcast_to(gx[:, None], (H, W)).reshape(1, 1, -1)
    grid_y = jnp.broadcast_to(gy[None, :], (H, W)).reshape(1, 1, -1)
    return grid_x, grid_y


def setup_inputs(seed: int = 0) -> dict:
    key = jax.random.key(seed)
    inp = jax.random.normal(key, (128, 1, H, W), dtype=jnp.float32)
    grid_x, grid_y = make_grids()
    return {"input": inp, "grid_x": grid_x, "grid_y": grid_y}


def reference(input, grid_x, grid_y):
    b = input.shape[0]
    flat = input.reshape(b, 1, -1)            # b c (h w)
    argmax = jnp.argmax(flat, axis=2, keepdims=True)  # [b, 1, 1]
    x = grid_x[0, 0, argmax].squeeze(2)       # gather -> [b, 1]
    y = grid_y[0, 0, argmax].squeeze(2)       # gather -> [b, 1]
    return jnp.concatenate((x, y), axis=1)    # [b, 2]

if __name__ == "__main__":
    import jax
    _d = setup_inputs()
    print(jax.jit(kernel)(*tuple(_d.values())))

</pallas_src>

<mosaic_0001>
#map = affine_map<(d0, d1) -> (0)>
module attributes {stable_mosaic.version = 14 : i64} {
  func.func @_sc_gather_kernel(%arg0: i32, %arg1: i32, %arg2: memref<128xi32, #tpu.memory_space<hbm>>, %arg3: memref<262144xf32, #tpu.memory_space<hbm>>, %arg4: memref<262144xf32, #tpu.memory_space<hbm>>, %arg5: memref<128xf32, #tpu.memory_space<hbm>>, %arg6: memref<128xf32, #tpu.memory_space<hbm>>, %arg7: memref<128xi32, #tpu.memory_space<vmem>>, %arg8: memref<128xf32, #tpu.memory_space<vmem>>, %arg9: memref<!tpu.dma_semaphore, #tpu.memory_space<semaphore_mem>>) attributes {dimension_semantics = [#tpu.dimension_semantics<core_parallel>, #tpu.dimension_semantics<subcore_parallel>], iteration_bounds = array<i64: 2, 16>, scalar_prefetch = 0 : i64, scratch_operands = 3 : i64, tpu.core_type = #tpu.core_type<sc_vector_subcore>, window_params = [{transform_indices = #map}, {transform_indices = #map}, {transform_indices = #map}, {transform_indices = #map}, {transform_indices = #map}]} {
    %mul3A = arith.constant 2 : i32
    %mul3A_0 = arith.muli %arg1, %mul3A : i32
    %add3A = arith.addi %mul3A_0, %arg0 : i32
    %eq3A = arith.constant 0 : i32
    %eq3A_1 = arith.cmpi eq, %add3A, %eq3A : i32
    %convert_element_type3A = arith.extui %eq3A_1 : i1 to i32
    %cond3A = arith.constant 0 : i32
    %cond3A_2 = arith.cmpi ne, %convert_element_type3A, %cond3A : i32
    scf.if %cond3A_2 {
      "tpu.region"() ({
        %run_scoped3A = tpu.sem_alloc : memref<!tpu.dma_semaphore, #tpu.memory_space<semaphore_mem>>
        tpu.enqueue_dma source(%arg2 : memref<128xi32, #tpu.memory_space<hbm>>) target(%arg7 : memref<128xi32, #tpu.memory_space<vmem>>) target_semaphore(%run_scoped3A : memref<!tpu.dma_semaphore, #tpu.memory_space<semaphore_mem>>)
        tpu.wait_dma2 semaphore(%run_scoped3A : memref<!tpu.dma_semaphore, #tpu.memory_space<semaphore_mem>>) src(%arg2 : memref<128xi32, #tpu.memory_space<hbm>>) dst(%arg7 : memref<128xi32, #tpu.memory_space<vmem>>)
        tpu.yield
      }) : () -> ()
      %dma_start3A = arith.constant 0 : i32
      %dma_start3A_3 = tpu.memref_slice %arg3[%dma_start3A] : memref<262144xf32, #tpu.memory_space<hbm>> -> memref<262144xf32, #tpu.memory_space<hbm>>
      tpu.enqueue_indirect_dma source(%dma_start3A_3 : memref<262144xf32, #tpu.memory_space<hbm>>) target(%arg8 : memref<128xf32, #tpu.memory_space<vmem>>) offsets(%arg7 : memref<128xi32, #tpu.memory_space<vmem>>) semaphore(%arg9 : memref<!tpu.dma_semaphore, #tpu.memory_space<semaphore_mem>>)
      %dma_wait3A = arith.constant 0 : i32
      %dma_wait3A_4 = tpu.memref_slice %arg3[%dma_wait3A] : memref<262144xf32, #tpu.memory_space<hbm>> -> memref<262144xf32, #tpu.memory_space<hbm>>
      tpu.wait_indirect_dma semaphore(%arg9 : memref<!tpu.dma_semaphore, #tpu.memory_space<semaphore_mem>>) src(%dma_wait3A_4 : memref<262144xf32, #tpu.memory_space<hbm>>) dst(%arg8 : memref<128xf32, #tpu.memory_space<vmem>>)
      "tpu.region"() ({
        %run_scoped3A = tpu.sem_alloc : memref<!tpu.dma_semaphore, #tpu.memory_space<semaphore_mem>>
        tpu.enqueue_dma source(%arg8 : memref<128xf32, #tpu.memory_space<vmem>>) target(%arg5 : memref<128xf32, #tpu.memory_space<hbm>>) target_semaphore(%run_scoped3A : memref<!tpu.dma_semaphore, #tpu.memory_space<semaphore_mem>>)
        tpu.wait_dma2 semaphore(%run_scoped3A : memref<!tpu.dma_semaphore, #tpu.memory_space<semaphore_mem>>) src(%arg8 : memref<128xf32, #tpu.memory_space<vmem>>) dst(%arg5 : memref<128xf32, #tpu.memory_space<hbm>>)
        tpu.yield
      }) : () -> ()
      %dma_start3A_5 = arith.constant 0 : i32
      %dma_start3A_6 = tpu.memref_slice %arg4[%dma_start3A_5] : memref<262144xf32, #tpu.memory_space<hbm>> -> memref<262144xf32, #tpu.memory_space<hbm>>
      tpu.enqueue_indirect_dma source(%dma_start3A_6 : memref<262144xf32, #tpu.memory_space<hbm>>) target(%arg8 : memref<128xf32, #tpu.memory_space<vmem>>) offsets(%arg7 : memref<128xi32, #tpu.memory_space<vmem>>) semaphore(%arg9 : memref<!tpu.dma_semaphore, #tpu.memory_space<semaphore_mem>>)
      %dma_wait3A_7 = arith.constant 0 : i32
      %dma_wait3A_8 = tpu.memref_slice %arg4[%dma_wait3A_7] : memref<262144xf32, #tpu.memory_space<hbm>> -> memref<262144xf32, #tpu.memory_space<hbm>>
      tpu.wait_indirect_dma semaphore(%arg9 : memref<!tpu.dma_semaphore, #tpu.memory_space<semaphore_mem>>) src(%dma_wait3A_8 : memref<262144xf32, #tpu.memory_space<hbm>>) dst(%arg8 : memref<128xf32, #tpu.memory_space<vmem>>)
      "tpu.region"() ({
        %run_scoped3A = tpu.sem_alloc : memref<!tpu.dma_semaphore, #tpu.memory_space<semaphore_mem>>
        tpu.enqueue_dma source(%arg8 : memref<128xf32, #tpu.memory_space<vmem>>) target(%arg6 : memref<128xf32, #tpu.memory_space<hbm>>) target_semaphore(%run_scoped3A : memref<!tpu.dma_semaphore, #tpu.memory_space<semaphore_mem>>)
        tpu.wait_dma2 semaphore(%run_scoped3A : memref<!tpu.dma_semaphore, #tpu.memory_space<semaphore_mem>>) src(%arg8 : memref<128xf32, #tpu.memory_space<vmem>>) dst(%arg6 : memref<128xf32, #tpu.memory_space<hbm>>)
        tpu.yield
      }) : () -> ()
    } else {
    }
    return
  }
}

module attributes {stable_mosaic.version = 14 : i64} {
  func.func @_tc_argmax_kernel(%arg0: i32, %arg1: memref<8x512x512xf32, #tpu.memory_space<vmem>>, %arg2: memref<8x1x128xi32, #tpu.memory_space<vmem>>) attributes {dimension_semantics = [#tpu.dimension_semantics<arbitrary>], iteration_bounds = array<i64: 16>, scalar_prefetch = 0 : i64, scratch_operands = 0 : i64, tpu.core_type = #tpu.core_type<tc>, window_params = [{transform_indices = @transform_0, window_bounds = array<i64: 8, 512, 512>}, {transform_indices = @transform_1, window_bounds = array<i64: 8, 1, 128>}]} {
    %iota3A = tpu.iota {dimensions = array<i32: 0>} : vector<8x512xi32>
    %mul3A = arith.constant 512 : i32
    %mul3A_0 = vector.broadcast %mul3A : i32 to vector<8x512xi32>
    %mul3A_1 = arith.muli %iota3A, %mul3A_0 : vector<8x512xi32>
    %iota3A_2 = tpu.iota {dimensions = array<i32: 1>} : vector<8x512xi32>
    %add3A = arith.addi %mul3A_1, %iota3A_2 : vector<8x512xi32>
    %broadcast_in_dim3A = arith.constant 0xFF800000 : f32
    %broadcast_in_dim3A_3 = vector.broadcast %broadcast_in_dim3A : f32 to vector<8x512xf32>
    %broadcast_in_dim3A_4 = arith.constant 0 : i32
    %broadcast_in_dim3A_5 = vector.broadcast %broadcast_in_dim3A_4 : i32 to vector<8x512xi32>
    %scan3A = arith.constant 0 : i32
    %scan3A_6 = arith.constant 8 : i32
    %scan3A_7 = arith.addi %scan3A, %scan3A_6 : i32
    %scan3A_8 = arith.constant 1 : i32
    %scan3A_9:4 = scf.for %scan3A_339 = %scan3A to %scan3A_7 step %scan3A_8 iter_args(%scan3A_340 = %broadcast_in_dim3A_3, %scan3A_341 = %broadcast_in_dim3A_5, %scan3A_342 = %broadcast_in_dim3A_3, %scan3A_343 = %broadcast_in_dim3A_5) -> (vector<8x512xf32>, vector<8x512xi32>, vector<8x512xf32>, vector<8x512xi32>)  : i32 {
      %mul3A_344 = arith.constant 8 : i32
      %mul3A_345 = arith.muli %scan3A_339, %mul3A_344 : i32
      %add3A_346 = arith.constant 0 : i32
      %add3A_347 = arith.addi %mul3A_345, %add3A_346 : i32
      %mul3A_348 = arith.constant 8 : i32
      %mul3A_349 = arith.muli %add3A_347, %mul3A_348 : i32
      %get3A = arith.constant 0 : index
      %get3A_350 = arith.index_cast %mul3A_349 : i32 to index
      %get3A_351 = arith.constant 0 : index
      %get3A_352 = vector.load %arg1[%get3A, %get3A_350, %get3A_351] : memref<8x512x512xf32, #tpu.memory_space<vmem>>, vector<1x8x512xf32>
      %get3A_353 = vector.shape_cast %get3A_352 : vector<1x8x512xf32> to vector<8x512xf32>
      %gt3A_354 = arith.cmpf ogt, %get3A_353, %scan3A_340 : vector<8x512xf32>
      %select_n3A_355 = arith.select %gt3A_354, %get3A_353, %scan3A_340 : vector<8x512xi1>, vector<8x512xf32>
      %broadcast_in_dim3A_356 = vector.broadcast %add3A_347 : i32 to vector<8x512xi32>
      %select_n3A_357 = arith.select %gt3A_354, %broadcast_in_dim3A_356, %scan3A_341 : vector<8x512xi1>, vector<8x512xi32>
      %mul3A_358 = arith.constant 8 : i32
      %mul3A_359 = arith.muli %scan3A_339, %mul3A_358 : i32
      %add3A_360 = arith.constant 1 : i32
      %add3A_361 = arith.addi %mul3A_359, %add3A_360 : i32
      %mul3A_362 = arith.constant 8 : i32
      %mul3A_363 = arith.muli %add3A_361, %mul3A_362 : i32
      %get3A_364 = arith.constant 0 : index
      %get3A_365 = arith.index_cast %mul3A_363 : i32 to index
      %get3A_366 = arith.constant 0 : index
      %get3A_367 = vector.load %arg1[%get3A_364, %get3A_365, %get3A_366] : memref<8x512x512xf32, #tpu.memory_space<vmem>>, vector<1x8x512xf32>
      %get3A_368 = vector.shape_cast %get3A_367 : vector<1x8x512xf32> to vector<8x512xf32>
      %gt3A_369 = arith.cmpf ogt, %get3A_368, %scan3A_342 : vector<8x512xf32>
      %select_n3A_370 = arith.select %gt3A_369, %get3A_368, %scan3A_342 : vector<8x512xi1>, vector<8x512xf32>
      %broadcast_in_dim3A_371 = vector.broadcast %add3A_361 : i32 to vector<8x512xi32>
      %select_n3A_372 = arith.select %gt3A_369, %broadcast_in_dim3A_371, %scan3A_343 : vector<8x512xi1>, vector<8x512xi32>
      %mul3A_373 = arith.constant 8 : i32
      %mul3A_374 = arith.muli %scan3A_339, %mul3A_373 : i32
      %add3A_375 = arith.constant 2 : i32
      %add3A_376 = arith.addi %mul3A_374, %add3A_375 : i32
      %mul3A_377 = arith.constant 8 : i32
      %mul3A_378 = arith.muli %add3A_376, %mul3A_377 : i32
      %get3A_379 = arith.constant 0 : index
      %get3A_380 = arith.index_cast %mul3A_378 : i32 to index
      %get3A_381 = arith.constant 0 : index
      %get3A_382 = vector.load %arg1[%get3A_379, %get3A_380, %get3A_381] : memref<8x512x512xf32, #tpu.memory_space<vmem>>, vector<1x8x512xf32>
      %get3A_383 = vector.shape_cast %get3A_382 : vector<1x8x512xf32> to vector<8x512xf32>
      %gt3A_384 = arith.cmpf ogt, %get3A_383, %select_n3A_355 : vector<8x512xf32>
      %select_n3A_385 = arith.select %gt3A_384, %get3A_383, %select_n3A_355 : vector<8x512xi1>, vector<8x512xf32>
      %broadcast_in_dim3A_386 = vector.broadcast %add3A_376 : i32 to vector<8x512xi32>
      %select_n3A_387 = arith.select %gt3A_384, %broadcast_in_dim3A_386, %select_n3A_357 : vector<8x512xi1>, vector<8x512xi32>
      %mul3A_388 = arith.constant 8 : i32
      %mul3A_389 = arith.muli %scan3A_339, %mul3A_388 : i32
      %add3A_390 = arith.constant 3 : i32
      %add3A_391 = arith.addi %mul3A_389, %add3A_390 : i32
      %mul3A_392 = arith.constant 8 : i32
      %mul3A_393 = arith.muli %add3A_391, %mul3A_392 : i32
      %get3A_394 = arith.constant 0 : index
      %get3A_395 = arith.index_cast %mul3A_393 : i32 to index
      %get3A_396 = arith.constant 0 : index
      %get3A_397 = vector.load %arg1[%get3A_394, %get3A_395, %get3A_396] : memref<8x512x512xf32, #tpu.memory_space<vmem>>, vector<1x8x512xf32>
      %get3A_398 = vector.shape_cast %get3A_397 : vector<1x8x512xf32> to vector<8x512xf32>
      %gt3A_399 = arith.cmpf ogt, %get3A_398, %select_n3A_370 : vector<8x512xf32>
      %select_n3A_400 = arith.select %gt3A_399, %get3A_398, %select_n3A_370 : vector<8x512xi1>, vector<8x512xf32>
      %broadcast_in_dim3A_401 = vector.broadcast %add3A_391 : i32 to vector<8x512xi32>
      %select_n3A_402 = arith.select %gt3A_399, %broadcast_in_dim3A_401, %select_n3A_372 : vector<8x512xi1>, vector<8x512xi32>
      %mul3A_403 = arith.constant 8 : i32
      %mul3A_404 = arith.muli %scan3A_339, %mul3A_403 : i32
      %add3A_405 = arith.constant 4 : i32
      %add3A_406 = arith.addi %mul3A_404, %add3A_405 : i32
      %mul3A_407 = arith.constant 8 : i32
      %mul3A_408 = arith.muli %add3A_406, %mul3A_407 : i32
      %get3A_409 = arith.constant 0 : index
      %get3A_410 = arith.index_cast %mul3A_408 : i32 to index
      %get3A_411 = arith.constant 0 : index
      %get3A_412 = vector.load %arg1[%get3A_409, %get3A_410, %get3A_411] : memref<8x512x512xf32, #tpu.memory_space<vmem>>, vector<1x8x512xf32>
      %get3A_413 = vector.shape_cast %get3A_412 : vector<1x8x512xf32> to vector<8x512xf32>
      %gt3A_414 = arith.cmpf ogt, %get3A_413, %select_n3A_385 : vector<8x512xf32>
      %select_n3A_415 = arith.select %gt3A_414, %get3A_413, %select_n3A_385 : vector<8x512xi1>, vector<8x512xf32>
      %broadcast_in_dim3A_416 = vector.broadcast %add3A_406 : i32 to vector<8x512xi32>
      %select_n3A_417 = arith.select %gt3A_414, %broadcast_in_dim3A_416, %select_n3A_387 : vector<8x512xi1>, vector<8x512xi32>
      %mul3A_418 = arith.constant 8 : i32
      %mul3A_419 = arith.muli %scan3A_339, %mul3A_418 : i32
      %add3A_420 = arith.constant 5 : i32
      %add3A_421 = arith.addi %mul3A_419, %add3A_420 : i32
      %mul3A_422 = arith.constant 8 : i32
      %mul3A_423 = arith.muli %add3A_421, %mul3A_422 : i32
      %get3A_424 = arith.constant 0 : index
      %get3A_425 = arith.index_cast %mul3A_423 : i32 to index
      %get3A_426 = arith.constant 0 : index
      %get3A_427 = vector.load %arg1[%get3A_424, %get3A_425, %get3A_426] : memref<8x512x512xf32, #tpu.memory_space<vmem>>, vector<1x8x512xf32>
      %get3A_428 = vector.shape_cast %get3A_427 : vector<1x8x512xf32> to vector<8x512xf32>
      %gt3A_429 = arith.cmpf ogt, %get3A_428, %select_n3A_400 : vector<8x512xf32>
      %select_n3A_430 = arith.select %gt3A_429, %get3A_428, %select_n3A_400 : vector<8x512xi1>, vector<8x512xf32>
      %broadcast_in_dim3A_431 = vector.broadcast %add3A_421 : i32 to vector<8x512xi32>
      %select_n3A_432 = arith.select %gt3A_429, %broadcast_in_dim3A_431, %select_n3A_402 : vector<8x512xi1>, vector<8x512xi32>
      %mul3A_433 = arith.constant 8 : i32
      %mul3A_434 = arith.muli %scan3A_339, %mul3A_433 : i32
      %add3A_435 = arith.constant 6 : i32
      %add3A_436 = arith.addi %mul3A_434, %add3A_435 : i32
      %mul3A_437 = arith.constant 8 : i32
      %mul3A_438 = arith.muli %add3A_436, %mul3A_437 : i32
      %get3A_439 = arith.constant 0 : index
      %get3A_440 = arith.index_cast %mul3A_438 : i32 to index
      %get3A_441 = arith.constant 0 : index
      %get3A_442 = vector.load %arg1[%get3A_439, %get3A_440, %get3A_441] : memref<8x512x512xf32, #tpu.memory_space<vmem>>, vector<1x8x512xf32>
      %get3A_443 = vector.shape_cast %get3A_442 : vector<1x8x512xf32> to vector<8x512xf32>
      %gt3A_444 = arith.cmpf ogt, %get3A_443, %select_n3A_415 : vector<8x512xf32>
      %select_n3A_445 = arith.select %gt3A_444, %get3A_443, %select_n3A_415 : vector<8x512xi1>, vector<8x512xf32>
      %broadcast_in_dim3A_446 = vector.broadcast %add3A_436 : i32 to vector<8x512xi32>
      %select_n3A_447 = arith.select %gt3A_444, %broadcast_in_dim3A_446, %select_n3A_417 : vector<8x512xi1>, vector<8x512xi32>
      %mul3A_448 = arith.constant 8 : i32
      %mul3A_449 = arith.muli %scan3A_339, %mul3A_448 : i32
      %add3A_450 = arith.constant 7 : i32
      %add3A_451 = arith.addi %mul3A_449, %add3A_450 : i32
      %mul3A_452 = arith.constant 8 : i32
      %mul3A_453 = arith.muli %add3A_451, %mul3A_452 : i32
      %get3A_454 = arith.constant 0 : index
      %get3A_455 = arith.index_cast %mul3A_453 : i32 to index
      %get3A_456 = arith.constant 0 : index
      %get3A_457 = vector.load %arg1[%get3A_454, %get3A_455, %get3A_456] : memref<8x512x512xf32, #tpu.memory_space<vmem>>, vector<1x8x512xf32>
      %get3A_458 = vector.shape_cast %get3A_457 : vector<1x8x512xf32> to vector<8x512xf32>
      %gt3A_459 = arith.cmpf ogt, %get3A_458, %select_n3A_430 : vector<8x512xf32>
      %select_n3A_460 = arith.select %gt3A_459, %get3A_458, %select_n3A_430 : vector<8x512xi1>, vector<8x512xf32>
      %broadcast_in_dim3A_461 = vector.broadcast %add3A_451 : i32 to vector<8x512xi32>
      %select_n3A_462 = arith.select %gt3A_459, %broadcast_in_dim3A_461, %select_n3A_432 : vector<8x512xi1>, vector<8x512xi32>
      scf.yield %select_n3A_445, %select_n3A_447, %select_n3A_460, %select_n3A_462 : vector<8x512xf32>, vector<8x512xi32>, vector<8x512xf32>, vector<8x512xi32>
    }
    %scan3A_10 = arith.constant 8 : i32
    %mul3A_11 = arith.constant 4096 : i32
    %mul3A_12 = vector.broadcast %mul3A_11 : i32 to vector<8x512xi32>
    %mul3A_13 = arith.muli %scan3A_9#1, %mul3A_12 : vector<8x512xi32>
    %add3A_14 = arith.addi %mul3A_13, %add3A : vector<8x512xi32>
    %mul3A_15 = arith.constant 4096 : i32
    %mul3A_16 = vector.broadcast %mul3A_15 : i32 to vector<8x512xi32>
    %mul3A_17 = arith.muli %scan3A_9#3, %mul3A_16 : vector<8x512xi32>
    %add3A_18 = arith.addi %mul3A_17, %add3A : vector<8x512xi32>
    %gt3A = arith.cmpf ogt, %scan3A_9#2, %scan3A_9#0 : vector<8x512xf32>
    %eq3A = arith.cmpf oeq, %scan3A_9#2, %scan3A_9#0 : vector<8x512xf32>
    %lt3A = arith.cmpi slt, %add3A_18, %add3A_14 : vector<8x512xi32>
    %and3A = arith.andi %eq3A, %lt3A : vector<8x512xi1>
    %or3A = arith.ori %gt3A, %and3A : vector<8x512xi1>
    %select_n3A = arith.select %or3A, %scan3A_9#2, %scan3A_9#0 : vector<8x512xi1>, vector<8x512xf32>
    %select_n3A_19 = arith.select %or3A, %add3A_18, %add3A_14 : vector<8x512xi1>, vector<8x512xi32>
    %reduce_max3A = vector.shape_cast %select_n3A : vector<8x512xf32> to vector<1x8x512xf32>
    %reduce_max3A_20 = arith.constant dense<0xFF800000> : vector<1xf32>
    %reduce_max3A_21 = vector.multi_reduction <maximumf>, %reduce_max3A, %reduce_max3A_20 [1, 2] : vector<1x8x512xf32> to vector<1xf32>
    %reduce_max3A_22 = vector.shape_cast %reduce_max3A_21 : vector<1xf32> to vector<1x1x1xf32>
    %reduce_max3A_23 = vector.extract %reduce_max3A_22[0, 0, 0] : f32 from vector<1x1x1xf32>
    %eq3A_24 = vector.broadcast %reduce_max3A_23 : f32 to vector<8x512xf32>
    %eq3A_25 = arith.cmpf oeq, %select_n3A, %eq3A_24 : vector<8x512xf32>
    %jit3A = arith.constant 2147483647 : i32
    %broadcast_in_dim3A_26 = vector.broadcast %jit3A : i32 to vector<8x512xi32>
    %select_n3A_27 = arith.select %eq3A_25, %select_n3A_19, %broadcast_in_dim3A_26 : vector<8x512xi1>, vector<8x512xi32>
    %reduce_min3A = vector.shape_cast %select_n3A_27 : vector<8x512xi32> to vector<1x8x512xi32>
    %reduce_min3A_28 = arith.constant dense<2147483647> : vector<1xi32>
    %reduce_min3A_29 = vector.multi_reduction <minsi>, %reduce_min3A, %reduce_min3A_28 [1, 2] : vector<1x8x512xi32> to vector<1xi32>
    %reduce_min3A_30 = vector.shape_cast %reduce_min3A_29 : vector<1xi32> to vector<1x1x1xi32>
    %reduce_min3A_31 = vector.extract %reduce_min3A_30[0, 0, 0] : i32 from vector<1x1x1xi32>
    %broadcast_in_dim3A_32 = vector.broadcast %reduce_min3A_31 : i32 to vector<1x128xi32>
    %swap3A = arith.constant 0 : index
    %swap3A_33 = arith.constant 0 : index
    %swap3A_34 = arith.constant 0 : index
    %swap3A_35 = vector.load %arg2[%swap3A, %swap3A_33, %swap3A_34] : memref<8x1x128xi32, #tpu.memory_space<vmem>>, vector<1x1x128xi32>
    %swap3A_36 = vector.shape_cast %swap3A_35 : vector<1x1x128xi32> to vector<1x128xi32>
    %swap3A_37 = vector.shape_cast %broadcast_in_dim3A_32 : vector<1x128xi32> to vector<1x1x128xi32>
    tpu.vector_store %arg2[%swap3A, %swap3A_33, %swap3A_34], %swap3A_37 {strides = array<i32>} : memref<8x1x128xi32, #tpu.memory_space<vmem>>, vector<1x1x128xi32>,
    %scan3A_38 = arith.constant 0 : i32
    %scan3A_39 = arith.constant 8 : i32
    %scan3A_40 = arith.addi %scan3A_38, %scan3A_39 : i32
    %scan3A_41 = arith.constant 1 : i32
    %scan3A_42:4 = scf.for %scan3A_339 = %scan3A_38 to %scan3A_40 step %scan3A_41 iter_args(%scan3A_340 = %broadcast_in_dim3A_3, %scan3A_341 = %broadcast_in_dim3A_5, %scan3A_342 = %broadcast_in_dim3A_3, %scan3A_343 = %broadcast_in_dim3A_5) -> (vector<8x512xf32>, vector<8x512xi32>, vector<8x512xf32>, vector<8x512xi32>)  : i32 {
      %mul3A_344 = arith.constant 8 : i32
      %mul3A_345 = arith.muli %scan3A_339, %mul3A_344 : i32
      %add3A_346 = arith.constant 0 : i32
      %add3A_347 = arith.addi %mul3A_345, %add3A_346 : i32
      %mul3A_348 = arith.constant 8 : i32
      %mul3A_349 = arith.muli %add3A_347, %mul3A_348 : i32
      %get3A = arith.constant 1 : index
      %get3A_350 = arith.index_cast %mul3A_349 : i32 to index
      %get3A_351 = arith.constant 0 : index
      %get3A_352 = vector.load %arg1[%get3A, %get3A_350, %get3A_351] : memref<8x512x512xf32, #tpu.memory_space<vmem>>, vector<1x8x512xf32>
      %get3A_353 = vector.shape_cast %get3A_352 : vector<1x8x512xf32> to vector<8x512xf32>
      %gt3A_354 = arith.cmpf ogt, %get3A_353, %scan3A_340 : vector<8x512xf32>
      %select_n3A_355 = arith.select %gt3A_354, %get3A_353, %scan3A_340 : vector<8x512xi1>, vector<8x512xf32>
      %broadcast_in_dim3A_356 = vector.broadcast %add3A_347 : i32 to vector<8x512xi32>
      %select_n3A_357 = arith.select %gt3A_354, %broadcast_in_dim3A_356, %scan3A_341 : vector<8x512xi1>, vector<8x512xi32>
      %mul3A_358 = arith.constant 8 : i32
      %mul3A_359 = arith.muli %scan3A_339, %mul3A_358 : i32
      %add3A_360 = arith.constant 1 : i32
      %add3A_361 = arith.addi %mul3A_359, %add3A_360 : i32
      %mul3A_362 = arith.constant 8 : i32
      %mul3A_363 = arith.muli %add3A_361, %mul3A_362 : i32
      %get3A_364 = arith.constant 1 : index
      %get3A_365 = arith.index_cast %mul3A_363 : i32 to index
      %get3A_366 = arith.constant 0 : index
      %get3A_367 = vector.load %arg1[%get3A_364, %get3A_365, %get3A_366] : memref<8x512x512xf32, #tpu.memory_space<vmem>>, vector<1x8x512xf32>
      %get3A_368 = vector.shape_cast %get3A_367 : vector<1x8x512xf32> to vector<8x512xf32>
      %gt3A_369 = arith.cmpf ogt, %get3A_368, %scan3A_342 : vector<8x512xf32>
      %select_n3A_370 = arith.select %gt3A_369, %get3A_368, %scan3A_342 : vector<8x512xi1>, vector<8x512xf32>
      %broadcast_in_dim3A_371 = vector.broadcast %add3A_361 : i32 to vector<8x512xi32>
      %select_n3A_372 = arith.select %gt3A_369, %broadcast_in_dim3A_371, %scan3A_343 : vector<8x512xi1>, vector<8x512xi32>
      %mul3A_373 = arith.constant 8 : i32
      %mul3A_374 = arith.muli %scan3A_339, %mul3A_373 : i32
      %add3A_375 = arith.constant 2 : i32
      %add3A_376 = arith.addi %mul3A_374, %add3A_375 : i32
      %mul3A_377 = arith.constant 8 : i32
      %mul3A_378 = arith.muli %add3A_376, %mul3A_377 : i32
      %get3A_379 = arith.constant 1 : index
      %get3A_380 = arith.index_cast %mul3A_378 : i32 to index
      %get3A_381 = arith.constant 0 : index
      %get3A_382 = vector.load %arg1[%get3A_379, %get3A_380, %get3A_381] : memref<8x512x512xf32, #tpu.memory_space<vmem>>, vector<1x8x512xf32>
      %get3A_383 = vector.shape_cast %get3A_382 : vector<1x8x512xf32> to vector<8x512xf32>
      %gt3A_384 = arith.cmpf ogt, %get3A_383, %select_n3A_355 : vector<8x512xf32>
      %select_n3A_385 = arith.select %gt3A_384, %get3A_383, %select_n3A_355 : vector<8x512xi1>, vector<8x512xf32>
      %broadcast_in_dim3A_386 = vector.broadcast %add3A_376 : i32 to vector<8x512xi32>
      %select_n3A_387 = arith.select %gt3A_384, %broadcast_in_dim3A_386, %select_n3A_357 : vector<8x512xi1>, vector<8x512xi32>
      %mul3A_388 = arith.constant 8 : i32
      %mul3A_389 = arith.muli %scan3A_339, %mul3A_388 : i32
      %add3A_390 = arith.constant 3 : i32
      %add3A_391 = arith.addi %mul3A_389, %add3A_390 : i32
      %mul3A_392 = arith.constant 8 : i32
      %mul3A_393 = arith.muli %add3A_391, %mul3A_392 : i32
      %get3A_394 = arith.constant 1 : index
      %get3A_395 = arith.index_cast %mul3A_393 : i32 to index
      %get3A_396 = arith.constant 0 : index
      %get3A_397 = vector.load %arg1[%get3A_394, %get3A_395, %get3A_396] : memref<8x512x512xf32, #tpu.memory_space<vmem>>, vector<1x8x512xf32>
      %get3A_398 = vector.shape_cast %get3A_397 : vector<1x8x512xf32> to vector<8x512xf32>
      %gt3A_399 = arith.cmpf ogt, %get3A_398, %select_n3A_370 : vector<8x512xf32>
      %select_n3A_400 = arith.select %gt3A_399, %get3A_398, %select_n3A_370 : vector<8x512xi1>, vector<8x512xf32>
      %broadcast_in_dim3A_401 = vector.broadcast %add3A_391 : i32 to vector<8x512xi32>
      %select_n3A_402 = arith.select %gt3A_399, %broadcast_in_dim3A_401, %select_n3A_372 : vector<8x512xi1>, vector<8x512xi32>
      %mul3A_403 = arith.constant 8 : i32
      %mul3A_404 = arith.muli %scan3A_339, %mul3A_403 : i32
      %add3A_405 = arith.constant 4 : i32
      %add3A_406 = arith.addi %mul3A_404, %add3A_405 : i32
      %mul3A_407 = arith.constant 8 : i32
      %mul3A_408 = arith.muli %add3A_406, %mul3A_407 : i32
      %get3A_409 = arith.constant 1 : index
      %get3A_410 = arith.index_cast %mul3A_408 : i32 to index
      %get3A_411 = arith.constant 0 : index
      %get3A_412 = vector.load %arg1[%get3A_409, %get3A_410, %get3A_411] : memref<8x512x512xf32, #tpu.memory_space<vmem>>, vector<1x8x512xf32>
      %get3A_413 = vector.shape_cast %get3A_412 : vector<1x8x512xf32> to vector<8x512xf32>
      %gt3A_414 = arith.cmpf ogt, %get3A_413, %select_n3A_385 : vector<8x512xf32>
      %select_n3A_415 = arith.select %gt3A_414, %get3A_413, %select_n3A_385 : vector<8x512xi1>, vector<8x512xf32>
      %broadcast_in_dim3A_416 = vector.broadcast %add3A_406 : i32 to vector<8x512xi32>
      %select_n3A_417 = arith.select %gt3A_414, %broadcast_in_dim3A_416, %select_n3A_387 : vector<8x512xi1>, vector<8x512xi32>
      %mul3A_418 = arith.constant 8 : i32
      %mul3A_419 = arith.muli %scan3A_339, %mul3A_418 : i32
      %add3A_420 = arith.constant 5 : i32
      %add3A_421 = arith.addi %mul3A_419, %add3A_420 : i32
      %mul3A_422 = arith.constant 8 : i32
      %mul3A_423 = arith.muli %add3A_421, %mul3A_422 : i32
      %get3A_424 = arith.constant 1 : index
      %get3A_425 = arith.index_cast %mul3A_423 : i32 to index
      %get3A_426 = arith.constant 0 : index
      %get3A_427 = vector.load %arg1[%get3A_424, %get3A_425, %get3A_426] : memref<8x512x512xf32, #tpu.memory_space<vmem>>, vector<1x8x512xf32>
      %get3A_428 = vector.shape_cast %get3A_427 : vector<1x8x512xf32> to vector<8x512xf32>
      %gt3A_429 = arith.cmpf ogt, %get3A_428, %select_n3A_400 : vector<8x512xf32>
      %select_n3A_430 = arith.select %gt3A_429, %get3A_428, %select_n3A_400 : vector<8x512xi1>, vector<8x512xf32>
      %broadcast_in_dim3A_431 = vector.broadcast %add3A_421 : i32 to vector<8x512xi32>
      %select_n3A_432 = arith.select %gt3A_429, %broadcast_in_dim3A_431, %select_n3A_402 : vector<8x512xi1>, vector<8x512xi32>
      %mul3A_433 = arith.constant 8 : i32
      %mul3A_434 = arith.muli %scan3A_339, %mul3A_433 : i32
      %add3A_435 = arith.constant 6 : i32
      %add3A_436 = arith.addi %mul3A_434, %add3A_435 : i32
      %mul3A_437 = arith.constant 8 : i32
      %mul3A_438 = arith.muli %add3A_436, %mul3A_437 : i32
      %get3A_439 = arith.constant 1 : index
      %get3A_440 = arith.index_cast %mul3A_438 : i32 to index
      %get3A_441 = arith.constant 0 : index
      %get3A_442 = vector.load %arg1[%get3A_439, %get3A_440, %get3A_441] : memref<8x512x512xf32, #tpu.memory_space<vmem>>, vector<1x8x512xf32>
      %get3A_443 = vector.shape_cast %get3A_442 : vector<1x8x512xf32> to vector<8x512xf32>
      %gt3A_444 = arith.cmpf ogt, %get3A_443, %select_n3A_415 : vector<8x512xf32>
      %select_n3A_445 = arith.select %gt3A_444, %get3A_443, %select_n3A_415 : vector<8x512xi1>, vector<8x512xf32>
      %broadcast_in_dim3A_446 = vector.broadcast %add3A_436 : i32 to vector<8x512xi32>
      %select_n3A_447 = arith.select %gt3A_444, %broadcast_in_dim3A_446, %select_n3A_417 : vector<8x512xi1>, vector<8x512xi32>
      %mul3A_448 = arith.constant 8 : i32
      %mul3A_449 = arith.muli %scan3A_339, %mul3A_448 : i32
      %add3A_450 = arith.constant 7 : i32
      %add3A_451 = arith.addi %mul3A_449, %add3A_450 : i32
      %mul3A_452 = arith.constant 8 : i32
      %mul3A_453 = arith.muli %add3A_451, %mul3A_452 : i32
      %get3A_454 = arith.constant 1 : index
      %get3A_455 = arith.index_cast %mul3A_453 : i32 to index
      %get3A_456 = arith.constant 0 : index
      %get3A_457 = vector.load %arg1[%get3A_454, %get3A_455, %get3A_456] : memref<8x512x512xf32, #tpu.memory_space<vmem>>, vector<1x8x512xf32>
      %get3A_458 = vector.shape_cast %get3A_457 : vector<1x8x512xf32> to vector<8x512xf32>
      %gt3A_459 = arith.cmpf ogt, %get3A_458, %select_n3A_430 : vector<8x512xf32>
      %select_n3A_460 = arith.select %gt3A_459, %get3A_458, %select_n3A_430 : vector<8x512xi1>, vector<8x512xf32>
      %broadcast_in_dim3A_461 = vector.broadcast %add3A_451 : i32 to vector<8x512xi32>
      %select_n3A_462 = arith.select %gt3A_459, %broadcast_in_dim3A_461, %select_n3A_432 : vector<8x512xi1>, vector<8x512xi32>
      scf.yield %select_n3A_445, %select_n3A_447, %select_n3A_460, %select_n3A_462 : vector<8x512xf32>, vector<8x512xi32>, vector<8x512xf32>, vector<8x512xi32>
    }
    %scan3A_43 = arith.constant 8 : i32
    %mul3A_44 = arith.constant 4096 : i32
    %mul3A_45 = vector.broadcast %mul3A_44 : i32 to vector<8x512xi32>
    %mul3A_46 = arith.muli %scan3A_42#1, %mul3A_45 : vector<8x512xi32>
    %add3A_47 = arith.addi %mul3A_46, %add3A : vector<8x512xi32>
    %mul3A_48 = arith.constant 4096 : i32
    %mul3A_49 = vector.broadcast %mul3A_48 : i32 to vector<8x512xi32>
    %mul3A_50 = arith.muli %scan3A_42#3, %mul3A_49 : vector<8x512xi32>
    %add3A_51 = arith.addi %mul3A_50, %add3A : vector<8x512xi32>
    %gt3A_52 = arith.cmpf ogt, %scan3A_42#2, %scan3A_42#0 : vector<8x512xf32>
    %eq3A_53 = arith.cmpf oeq, %scan3A_42#2, %scan3A_42#0 : vector<8x512xf32>
    %lt3A_54 = arith.cmpi slt, %add3A_51, %add3A_47 : vector<8x512xi32>
    %and3A_55 = arith.andi %eq3A_53, %lt3A_54 : vector<8x512xi1>
    %or3A_56 = arith.ori %gt3A_52, %and3A_55 : vector<8x512xi1>
    %select_n3A_57 = arith.select %or3A_56, %scan3A_42#2, %scan3A_42#0 : vector<8x512xi1>, vector<8x512xf32>
    %select_n3A_58 = arith.select %or3A_56, %add3A_51, %add3A_47 : vector<8x512xi1>, vector<8x512xi32>
    %reduce_max3A_59 = vector.shape_cast %select_n3A_57 : vector<8x512xf32> to vector<1x8x512xf32>
    %reduce_max3A_60 = arith.constant dense<0xFF800000> : vector<1xf32>
    %reduce_max3A_61 = vector.multi_reduction <maximumf>, %reduce_max3A_59, %reduce_max3A_60 [1, 2] : vector<1x8x512xf32> to vector<1xf32>
    %reduce_max3A_62 = vector.shape_cast %reduce_max3A_61 : vector<1xf32> to vector<1x1x1xf32>
    %reduce_max3A_63 = vector.extract %reduce_max3A_62[0, 0, 0] : f32 from vector<1x1x1xf32>
    %eq3A_64 = vector.broadcast %reduce_max3A_63 : f32 to vector<8x512xf32>
    %eq3A_65 = arith.cmpf oeq, %select_n3A_57, %eq3A_64 : vector<8x512xf32>
    %jit3A_66 = arith.constant 2147483647 : i32
    %broadcast_in_dim3A_67 = vector.broadcast %jit3A_66 : i32 to vector<8x512xi32>
    %select_n3A_68 = arith.select %eq3A_65, %select_n3A_58, %broadcast_in_dim3A_67 : vector<8x512xi1>, vector<8x512xi32>
    %reduce_min3A_69 = vector.shape_cast %select_n3A_68 : vector<8x512xi32> to vector<1x8x512xi32>
    %reduce_min3A_70 = arith.constant dense<2147483647> : vector<1xi32>
    %reduce_min3A_71 = vector.multi_reduction <minsi>, %reduce_min3A_69, %reduce_min3A_70 [1, 2] : vector<1x8x512xi32> to vector<1xi32>
    %reduce_min3A_72 = vector.shape_cast %reduce_min3A_71 : vector<1xi32> to vector<1x1x1xi32>
    %reduce_min3A_73 = vector.extract %reduce_min3A_72[0, 0, 0] : i32 from vector<1x1x1xi32>
    %broadcast_in_dim3A_74 = vector.broadcast %reduce_min3A_73 : i32 to vector<1x128xi32>
    %swap3A_75 = arith.constant 1 : index
    %swap3A_76 = arith.constant 0 : index
    %swap3A_77 = arith.constant 0 : index
    %swap3A_78 = vector.load %arg2[%swap3A_75, %swap3A_76, %swap3A_77] : memref<8x1x128xi32, #tpu.memory_space<vmem>>, vector<1x1x128xi32>
    %swap3A_79 = vector.shape_cast %swap3A_78 : vector<1x1x128xi32> to vector<1x128xi32>
    %swap3A_80 = vector.shape_cast %broadcast_in_dim3A_74 : vector<1x128xi32> to vector<1x1x128xi32>
    tpu.vector_store %arg2[%swap3A_75, %swap3A_76, %swap3A_77], %swap3A_80 {strides = array<i32>} : memref<8x1x128xi32, #tpu.memory_space<vmem>>, vector<1x1x128xi32>,
    %scan3A_81 = arith.constant 0 : i32
    %scan3A_82 = arith.constant 8 : i32
    %scan3A_83 = arith.addi %scan3A_81, %scan3A_82 : i32
    %scan3A_84 = arith.constant 1 : i32
    %scan3A_85:4 = scf.for %scan3A_339 = %scan3A_81 to %scan3A_83 step %scan3A_84 iter_args(%scan3A_340 = %broadcast_in_dim3A_3, %scan3A_341 = %broadcast_in_dim3A_5, %scan3A_342 = %broadcast_in_dim3A_3, %scan3A_343 = %broadcast_in_dim3A_5) -> (vector<8x512xf32>, vector<8x512xi32>, vector<8x512xf32>, vector<8x512xi32>)  : i32 {
      %mul3A_344 = arith.constant 8 : i32
      %mul3A_345 = arith.muli %scan3A_339, %mul3A_344 : i32
      %add3A_346 = arith.constant 0 : i32
      %add3A_347 = arith.addi %mul3A_345, %add3A_346 : i32
      %mul3A_348 = arith.constant 8 : i32
      %mul3A_349 = arith.muli %add3A_347, %mul3A_348 : i32
      %get3A = arith.constant 2 : index
      %get3A_350 = arith.index_cast %mul3A_349 : i32 to index
      %get3A_351 = arith.constant 0 : index
      %get3A_352 = vector.load %arg1[%get3A, %get3A_350, %get3A_351] : memref<8x512x512xf32, #tpu.memory_space<vmem>>, vector<1x8x512xf32>
      %get3A_353 = vector.shape_cast %get3A_352 : vector<1x8x512xf32> to vector<8x512xf32>
      %gt3A_354 = arith.cmpf ogt, %get3A_353, %scan3A_340 : vector<8x512xf32>
      %select_n3A_355 = arith.select %gt3A_354, %get3A_353, %scan3A_340 : vector<8x512xi1>, vector<8x512xf32>
      %broadcast_in_dim3A_356 = vector.broadcast %add3A_347 : i32 to vector<8x512xi32>
      %select_n3A_357 = arith.select %gt3A_354, %broadcast_in_dim3A_356, %scan3A_341 : vector<8x512xi1>, vector<8x512xi32>
      %mul3A_358 = arith.constant 8 : i32
      %mul3A_359 = arith.muli %scan3A_339, %mul3A_358 : i32
      %add3A_360 = arith.constant 1 : i32
      %add3A_361 = arith.addi %mul3A_359, %add3A_360 : i32
      %mul3A_362 = arith.constant 8 : i32
      %mul3A_363 = arith.muli %add3A_361, %mul3A_362 : i32
      %get3A_364 = arith.constant 2 : index
      %get3A_365 = arith.index_cast %mul3A_363 : i32 to index
      %get3A_366 = arith.constant 0 : index
      %get3A_367 = vector.load %arg1[%get3A_364, %get3A_365, %get3A_366] : memref<8x512x512xf32, #tpu.memory_space<vmem>>, vector<1x8x512xf32>
      %get3A_368 = vector.shape_cast %get3A_367 : vector<1x8x512xf32> to vector<8x512xf32>
      %gt3A_369 = arith.cmpf ogt, %get3A_368, %scan3A_342 : vector<8x512xf32>
      %select_n3A_370 = arith.select %gt3A_369, %get3A_368, %scan3A_342 : vector<8x512xi1>, vector<8x512xf32>
      %broadcast_in_dim3A_371 = vector.broadcast %add3A_361 : i32 to vector<8x512xi32>
      %select_n3A_372 = arith.select %gt3A_369, %broadcast_in_dim3A_371, %scan3A_343 : vector<8x512xi1>, vector<8x512xi32>
      %mul3A_373 = arith.constant 8 : i32
      %mul3A_374 = arith.muli %scan3A_339, %mul3A_373 : i32
      %add3A_375 = arith.constant 2 : i32
      %add3A_376 = arith.addi %mul3A_374, %add3A_375 : i32
      %mul3A_377 = arith.constant 8 : i32
      %mul3A_378 = arith.muli %add3A_376, %mul3A_377 : i32
      %get3A_379 = arith.constant 2 : index
      %get3A_380 = arith.index_cast %mul3A_378 : i32 to index
      %get3A_381 = arith.constant 0 : index
      %get3A_382 = vector.load %arg1[%get3A_379, %get3A_380, %get3A_381] : memref<8x512x512xf32, #tpu.memory_space<vmem>>, vector<1x8x512xf32>
      %get3A_383 = vector.shape_cast %get3A_382 : vector<1x8x512xf32> to vector<8x512xf32>
      %gt3A_384 = arith.cmpf ogt, %get3A_383, %select_n3A_355 : vector<8x512xf32>
      %select_n3A_385 = arith.select %gt3A_384, %get3A_383, %select_n3A_355 : vector<8x512xi1>, vector<8x512xf32>
      %broadcast_in_dim3A_386 = vector.broadcast %add3A_376 : i32 to vector<8x512xi32>
      %select_n3A_387 = arith.select %gt3A_384, %broadcast_in_dim3A_386, %select_n3A_357 : vector<8x512xi1>, vector<8x512xi32>
      %mul3A_388 = arith.constant 8 : i32
      %mul3A_389 = arith.muli %scan3A_339, %mul3A_388 : i32
      %add3A_390 = arith.constant 3 : i32
      %add3A_391 = arith.addi %mul3A_389, %add3A_390 : i32
      %mul3A_392 = arith.constant 8 : i32
      %mul3A_393 = arith.muli %add3A_391, %mul3A_392 : i32
      %get3A_394 = arith.constant 2 : index
      %get3A_395 = arith.index_cast %mul3A_393 : i32 to index
      %get3A_396 = arith.constant 0 : index
      %get3A_397 = vector.load %arg1[%get3A_394, %get3A_395, %get3A_396] : memref<8x512x512xf32, #tpu.memory_space<vmem>>, vector<1x8x512xf32>
      %get3A_398 = vector.shape_cast %get3A_397 : vector<1x8x512xf32> to vector<8x512xf32>
      %gt3A_399 = arith.cmpf ogt, %get3A_398, %select_n3A_370 : vector<8x512xf32>
      %select_n3A_400 = arith.select %gt3A_399, %get3A_398, %select_n3A_370 : vector<8x512xi1>, vector<8x512xf32>
      %broadcast_in_dim3A_401 = vector.broadcast %add3A_391 : i32 to vector<8x512xi32>
      %select_n3A_402 = arith.select %gt3A_399, %broadcast_in_dim3A_401, %select_n3A_372 : vector<8x512xi1>, vector<8x512xi32>
      %mul3A_403 = arith.constant 8 : i32
      %mul3A_404 = arith.muli %scan3A_339, %mul3A_403 : i32
      %add3A_405 = arith.constant 4 : i32
      %add3A_406 = arith.addi %mul3A_404, %add3A_405 : i32
      %mul3A_407 = arith.constant 8 : i32
      %mul3A_408 = arith.muli %add3A_406, %mul3A_407 : i32
      %get3A_409 = arith.constant 2 : index
      %get3A_410 = arith.index_cast %mul3A_408 : i32 to index
      %get3A_411 = arith.constant 0 : index
      %get3A_412 = vector.load %arg1[%get3A_409, %get3A_410, %get3A_411] : memref<8x512x512xf32, #tpu.memory_space<vmem>>, vector<1x8x512xf32>
      %get3A_413 = vector.shape_cast %get3A_412 : vector<1x8x512xf32> to vector<8x512xf32>
      %gt3A_414 = arith.cmpf ogt, %get3A_413, %select_n3A_385 : vector<8x512xf32>
      %select_n3A_415 = arith.select %gt3A_414, %get3A_413, %select_n3A_385 : vector<8x512xi1>, vector<8x512xf32>
      %broadcast_in_dim3A_416 = vector.broadcast %add3A_406 : i32 to vector<8x512xi32>
      %select_n3A_417 = arith.select %gt3A_414, %broadcast_in_dim3A_416, %select_n3A_387 : vector<8x512xi1>, vector<8x512xi32>
      %mul3A_418 = arith.constant 8 : i32
      %mul3A_419 = arith.muli %scan3A_339, %mul3A_418 : i32
      %add3A_420 = arith.constant 5 : i32
      %add3A_421 = arith.addi %mul3A_419, %add3A_420 : i32
      %mul3A_422 = arith.constant 8 : i32
      %mul3A_423 = arith.muli %add3A_421, %mul3A_422 : i32
      %get3A_424 = arith.constant 2 : index
      %get3A_425 = arith.index_cast %mul3A_423 : i32 to index
      %get3A_426 = arith.constant 0 : index
      %get3A_427 = vector.load %arg1[%get3A_424, %get3A_425, %get3A_426] : memref<8x512x512xf32, #tpu.memory_space<vmem>>, vector<1x8x512xf32>
      %get3A_428 = vector.shape_cast %get3A_427 : vector<1x8x512xf32> to vector<8x512xf32>
      %gt3A_429 = arith.cmpf ogt, %get3A_428, %select_n3A_400 : vector<8x512xf32>
      %select_n3A_430 = arith.select %gt3A_429, %get3A_428, %select_n3A_400 : vector<8x512xi1>, vector<8x512xf32>
      %broadcast_in_dim3A_431 = vector.broadcast %add3A_421 : i32 to vector<8x512xi32>
      %select_n3A_432 = arith.select %gt3A_429, %broadcast_in_dim3A_431, %select_n3A_402 : vector<8x512xi1>, vector<8x512xi32>
      %mul3A_433 = arith.constant 8 : i32
      %mul3A_434 = arith.muli %scan3A_339, %mul3A_433 : i32
      %add3A_435 = arith.constant 6 : i32
      %add3A_436 = arith.addi %mul3A_434, %add3A_435 : i32
      %mul3A_437 = arith.constant 8 : i32
      %mul3A_438 = arith.muli %add3A_436, %mul3A_437 : i32
      %get3A_439 = arith.constant 2 : index
      %get3A_440 = arith.index_cast %mul3A_438 : i32 to index
      %get3A_441 = arith.constant 0 : index
      %get3A_442 = vector.load %arg1[%get3A_439, %get3A_440, %get3A_441] : memref<8x512x512xf32, #tpu.memory_space<vmem>>, vector<1x8x512xf32>
      %get3A_443 = vector.shape_cast %get3A_442 : vector<1x8x512xf32> to vector<8x512xf32>
      %gt3A_444 = arith.cmpf ogt, %get3A_443, %select_n3A_415 : vector<8x512xf32>
      %select_n3A_445 = arith.select %gt3A_444, %get3A_443, %select_n3A_415 : vector<8x512xi1>, vector<8x512xf32>
      %broadcast_in_dim3A_446 = vector.broadcast %add3A_436 : i32 to vector<8x512xi32>
      %select_n3A_447 = arith.select %gt3A_444, %broadcast_in_dim3A_446, %select_n3A_417 : vector<8x512xi1>, vector<8x512xi32>
      %mul3A_448 = arith.constant 8 : i32
      %mul3A_449 = arith.muli %scan3A_339, %mul3A_448 : i32
      %add3A_450 = arith.constant 7 : i32
      %add3A_451 = arith.addi %mul3A_449, %add3A_450 : i32
      %mul3A_452 = arith.constant 8 : i32
      %mul3A_453 = arith.muli %add3A_451, %mul3A_452 : i32
      %get3A_454 = arith.constant 2 : index
      %get3A_455 = arith.index_cast %mul3A_453 : i32 to index
      %get3A_456 = arith.constant 0 : index
      %get3A_457 = vector.load %arg1[%get3A_454, %get3A_455, %get3A_456] : memref<8x512x512xf32, #tpu.memory_space<vmem>>, vector<1x8x512xf32>
      %get3A_458 = vector.shape_cast %get3A_457 : vector<1x8x512xf32> to vector<8x512xf32>
      %gt3A_459 = arith.cmpf ogt, %get3A_458, %select_n3A_430 : vector<8x512xf32>
      %select_n3A_460 = arith.select %gt3A_459, %get3A_458, %select_n3A_430 : vector<8x512xi1>, vector<8x512xf32>
      %broadcast_in_dim3A_461 = vector.broadcast %add3A_451 : i32 to vector<8x512xi32>
      %select_n3A_462 = arith.select %gt3A_459, %broadcast_in_dim3A_461, %select_n3A_432 : vector<8x512xi1>, vector<8x512xi32>
      scf.yield %select_n3A_445, %select_n3A_447, %select_n3A_460, %select_n3A_462 : vector<8x512xf32>, vector<8x512xi32>, vector<8x512xf32>, vector<8x512xi32>
    }
    %scan3A_86 = arith.constant 8 : i32
    %mul3A_87 = arith.constant 4096 : i32
    %mul3A_88 = vector.broadcast %mul3A_87 : i32 to vector<8x512xi32>
    %mul3A_89 = arith.muli %scan3A_85#1, %mul3A_88 : vector<8x512xi32>
    %add3A_90 = arith.addi %mul3A_89, %add3A : vector<8x512xi32>
    %mul3A_91 = arith.constant 4096 : i32
    %mul3A_92 = vector.broadcast %mul3A_91 : i32 to vector<8x512xi32>
    %mul3A_93 = arith.muli %scan3A_85#3, %mul3A_92 : vector<8x512xi32>
    %add3A_94 = arith.addi %mul3A_93, %add3A : vector<8x512xi32>
    %gt3A_95 = arith.cmpf ogt, %scan3A_85#2, %scan3A_85#0 : vector<8x512xf32>
    %eq3A_96 = arith.cmpf oeq, %scan3A_85#2, %scan3A_85#0 : vector<8x512xf32>
    %lt3A_97 = arith.cmpi slt, %add3A_94, %add3A_90 : vector<8x512xi32>
    %and3A_98 = arith.andi %eq3A_96, %lt3A_97 : vector<8x512xi1>
    %or3A_99 = arith.ori %gt3A_95, %and3A_98 : vector<8x512xi1>
    %select_n3A_100 = arith.select %or3A_99, %scan3A_85#2, %scan3A_85#0 : vector<8x512xi1>, vector<8x512xf32>
    %select_n3A_101 = arith.select %or3A_99, %add3A_94, %add3A_90 : vector<8x512xi1>, vector<8x512xi32>
    %reduce_max3A_102 = vector.shape_cast %select_n3A_100 : vector<8x512xf32> to vector<1x8x512xf32>
    %reduce_max3A_103 = arith.constant dense<0xFF800000> : vector<1xf32>
    %reduce_max3A_104 = vector.multi_reduction <maximumf>, %reduce_max3A_102, %reduce_max3A_103 [1, 2] : vector<1x8x512xf32> to vector<1xf32>
    %reduce_max3A_105 = vector.shape_cast %reduce_max3A_104 : vector<1xf32> to vector<1x1x1xf32>
    %reduce_max3A_106 = vector.extract %reduce_max3A_105[0, 0, 0] : f32 from vector<1x1x1xf32>
    %eq3A_107 = vector.broadcast %reduce_max3A_106 : f32 to vector<8x512xf32>
    %eq3A_108 = arith.cmpf oeq, %select_n3A_100, %eq3A_107 : vector<8x512xf32>
    %jit3A_109 = arith.constant 2147483647 : i32
    %broadcast_in_dim3A_110 = vector.broadcast %jit3A_109 : i32 to vector<8x512xi32>
    %select_n3A_111 = arith.select %eq3A_108, %select_n3A_101, %broadcast_in_dim3A_110 : vector<8x512xi1>, vector<8x512xi32>
    %reduce_min3A_112 = vector.shape_cast %select_n3A_111 : vector<8x512xi32> to vector<1x8x512xi32>
    %reduce_min3A_113 = arith.constant dense<2147483647> : vector<1xi32>
    %reduce_min3A_114 = vector.multi_reduction <minsi>, %reduce_min3A_112, %reduce_min3A_113 [1, 2] : vector<1x8x512xi32> to vector<1xi32>
    %reduce_min3A_115 = vector.shape_cast %reduce_min3A_114 : vector<1xi32> to vector<1x1x1xi32>
    %reduce_min3A_116 = vector.extract %reduce_min3A_115[0, 0, 0] : i32 from vector<1x1x1xi32>
    %broadcast_in_dim3A_117 = vector.broadcast %reduce_min3A_116 : i32 to vector<1x128xi32>
    %swap3A_118 = arith.constant 2 : index
    %swap3A_119 = arith.constant 0 : index
    %swap3A_120 = arith.constant 0 : index
    %swap3A_121 = vector.load %arg2[%swap3A_118, %swap3A_119, %swap3A_120] : memref<8x1x128xi32, #tpu.memory_space<vmem>>, vector<1x1x128xi32>
    %swap3A_122 = vector.shape_cast %swap3A_121 : vector<1x1x128xi32> to vector<1x128xi32>
    %swap3A_123 = vector.shape_cast %broadcast_in_dim3A_117 : vector<1x128xi32> to vector<1x1x128xi32>
    tpu.vector_store %arg2[%swap3A_118, %swap3A_119, %swap3A_120], %swap3A_123 {strides = array<i32>} : memref<8x1x128xi32, #tpu.memory_space<vmem>>, vector<1x1x128xi32>,
    %scan3A_124 = arith.constant 0 : i32
    %scan3A_125 = arith.constant 8 : i32
    %scan3A_126 = arith.addi %scan3A_124, %scan3A_125 : i32
    %scan3A_127 = arith.constant 1 : i32
    %scan3A_128:4 = scf.for %scan3A_339 = %scan3A_124 to %scan3A_126 step %scan3A_127 iter_args(%scan3A_340 = %broadcast_in_dim3A_3, %scan3A_341 = %broadcast_in_dim3A_5, %scan3A_342 = %broadcast_in_dim3A_3, %scan3A_343 = %broadcast_in_dim3A_5) -> (vector<8x512xf32>, vector<8x512xi32>, vector<8x512xf32>, vector<8x512xi32>)  : i32 {
      %mul3A_344 = arith.constant 8 : i32
      %mul3A_345 = arith.muli %scan3A_339, %mul3A_344 : i32
      %add3A_346 = arith.constant 0 : i32
      %add3A_347 = arith.addi %mul3A_345, %add3A_346 : i32
      %mul3A_348 = arith.constant 8 : i32
      %mul3A_349 = arith.muli %add3A_347, %mul3A_348 : i32
      %get3A = arith.constant 3 : index
      %get3A_350 = arith.index_cast %mul3A_349 : i32 to index
      %get3A_351 = arith.constant 0 : index
      %get3A_352 = vector.load %arg1[%get3A, %get3A_350, %get3A_351] : memref<8x512x512xf32, #tpu.memory_space<vmem>>, vector<1x8x512xf32>
      %get3A_353 = vector.shape_cast %get3A_352 : vector<1x8x512xf32> to vector<8x512xf32>
      %gt3A_354 = arith.cmpf ogt, %get3A_353, %scan3A_340 : vector<8x512xf32>
      %select_n3A_355 = arith.select %gt3A_354, %get3A_353, %scan3A_340 : vector<8x512xi1>, vector<8x512xf32>
      %broadcast_in_dim3A_356 = vector.broadcast %add3A_347 : i32 to vector<8x512xi32>
      %select_n3A_357 = arith.select %gt3A_354, %broadcast_in_dim3A_356, %scan3A_341 : vector<8x512xi1>, vector<8x512xi32>
      %mul3A_358 = arith.constant 8 : i32
      %mul3A_359 = arith.muli %scan3A_339, %mul3A_358 : i32
      %add3A_360 = arith.constant 1 : i32
      %add3A_361 = arith.addi %mul3A_359, %add3A_360 : i32
      %mul3A_362 = arith.constant 8 : i32
      %mul3A_363 = arith.muli %add3A_361, %mul3A_362 : i32
      %get3A_364 = arith.constant 3 : index
      %get3A_365 = arith.index_cast %mul3A_363 : i32 to index
      %get3A_366 = arith.constant 0 : index
      %get3A_367 = vector.load %arg1[%get3A_364, %get3A_365, %get3A_366] : memref<8x512x512xf32, #tpu.memory_space<vmem>>, vector<1x8x512xf32>
      %get3A_368 = vector.shape_cast %get3A_367 : vector<1x8x512xf32> to vector<8x512xf32>
      %gt3A_369 = arith.cmpf ogt, %get3A_368, %scan3A_342 : vector<8x512xf32>
      %select_n3A_370 = arith.select %gt3A_369, %get3A_368, %scan3A_342 : vector<8x512xi1>, vector<8x512xf32>
      %broadcast_in_dim3A_371 = vector.broadcast %add3A_361 : i32 to vector<8x512xi32>
      %select_n3A_372 = arith.select %gt3A_369, %broadcast_in_dim3A_371, %scan3A_343 : vector<8x512xi1>, vector<8x512xi32>
      %mul3A_373 = arith.constant 8 : i32
      %mul3A_374 = arith.muli %scan3A_339, %mul3A_373 : i32
      %add3A_375 = arith.constant 2 : i32
      %add3A_376 = arith.addi %mul3A_374, %add3A_375 : i32
      %mul3A_377 = arith.constant 8 : i32
      %mul3A_378 = arith.muli %add3A_376, %mul3A_377 : i32
      %get3A_379 = arith.constant 3 : index
      %get3A_380 = arith.index_cast %mul3A_378 : i32 to index
      %get3A_381 = arith.constant 0 : index
      %get3A_382 = vector.load %arg1[%get3A_379, %get3A_380, %get3A_381] : memref<8x512x512xf32, #tpu.memory_space<vmem>>, vector<1x8x512xf32>
      %get3A_383 = vector.shape_cast %get3A_382 : vector<1x8x512xf32> to vector<8x512xf32>
      %gt3A_384 = arith.cmpf ogt, %get3A_383, %select_n3A_355 : vector<8x512xf32>
      %select_n3A_385 = arith.select %gt3A_384, %get3A_383, %select_n3A_355 : vector<8x512xi1>, vector<8x512xf32>
      %broadcast_in_dim3A_386 = vector.broadcast %add3A_376 : i32 to vector<8x512xi32>
      %select_n3A_387 = arith.select %gt3A_384, %broadcast_in_dim3A_386, %select_n3A_357 : vector<8x512xi1>, vector<8x512xi32>
      %mul3A_388 = arith.constant 8 : i32
      %mul3A_389 = arith.muli %scan3A_339, %mul3A_388 : i32
      %add3A_390 = arith.constant 3 : i32
      %add3A_391 = arith.addi %mul3A_389, %add3A_390 : i32
      %mul3A_392 = arith.constant 8 : i32
      %mul3A_393 = arith.muli %add3A_391, %mul3A_392 : i32
      %get3A_394 = arith.constant 3 : index
      %get3A_395 = arith.index_cast %mul3A_393 : i32 to index
      %get3A_396 = arith.constant 0 : index
      %get3A_397 = vector.load %arg1[%get3A_394, %get3A_395, %get3A_396] : memref<8x512x512xf32, #tpu.memory_space<vmem>>, vector<1x8x512xf32>
      %get3A_398 = vector.shape_cast %get3A_397 : vector<1x8x512xf32> to vector<8x512xf32>
      %gt3A_399 = arith.cmpf ogt, %get3A_398, %select_n3A_370 : vector<8x512xf32>
      %select_n3A_400 = arith.select %gt3A_399, %get3A_398, %select_n3A_370 : vector<8x512xi1>, vector<8x512xf32>
      %broadcast_in_dim3A_401 = vector.broadcast %add3A_391 : i32 to vector<8x512xi32>
      %select_n3A_402 = arith.select %gt3A_399, %broadcast_in_dim3A_401, %select_n3A_372 : vector<8x512xi1>, vector<8x512xi32>
      %mul3A_403 = arith.constant 8 : i32
      %mul3A_404 = arith.muli %scan3A_339, %mul3A_403 : i32
      %add3A_405 = arith.constant 4 : i32
      %add3A_406 = arith.addi %mul3A_404, %add3A_405 : i32
      %mul3A_407 = arith.constant 8 : i32
      %mul3A_408 = arith.muli %add3A_406, %mul3A_407 : i32
      %get3A_409 = arith.constant 3 : index
      %get3A_410 = arith.index_cast %mul3A_408 : i32 to index
      %get3A_411 = arith.constant 0 : index
      %get3A_412 = vector.load %arg1[%get3A_409, %get3A_410, %get3A_411] : memref<8x512x512xf32, #tpu.memory_space<vmem>>, vector<1x8x512xf32>
      %get3A_413 = vector.shape_cast %get3A_412 : vector<1x8x512xf32> to vector<8x512xf32>
      %gt3A_414 = arith.cmpf ogt, %get3A_413, %select_n3A_385 : vector<8x512xf32>
      %select_n3A_415 = arith.select %gt3A_414, %get3A_413, %select_n3A_385 : vector<8x512xi1>, vector<8x512xf32>
      %broadcast_in_dim3A_416 = vector.broadcast %add3A_406 : i32 to vector<8x512xi32>
      %select_n3A_417 = arith.select %gt3A_414, %broadcast_in_dim3A_416, %select_n3A_387 : vector<8x512xi1>, vector<8x512xi32>
      %mul3A_418 = arith.constant 8 : i32
      %mul3A_419 = arith.muli %scan3A_339, %mul3A_418 : i32
      %add3A_420 = arith.constant 5 : i32
      %add3A_421 = arith.addi %mul3A_419, %add3A_420 : i32
      %mul3A_422 = arith.constant 8 : i32
      %mul3A_423 = arith.muli %add3A_421, %mul3A_422 : i32
      %get3A_424 = arith.constant 3 : index
      %get3A_425 = arith.index_cast %mul3A_423 : i32 to index
      %get3A_426 = arith.constant 0 : index
      %get3A_427 = vector.load %arg1[%get3A_424, %get3A_425, %get3A_426] : memref<8x512x512xf32, #tpu.memory_space<vmem>>, vector<1x8x512xf32>
      %get3A_428 = vector.shape_cast %get3A_427 : vector<1x8x512xf32> to vector<8x512xf32>
      %gt3A_429 = arith.cmpf ogt, %get3A_428, %select_n3A_400 : vector<8x512xf32>
      %select_n3A_430 = arith.select %gt3A_429, %get3A_428, %select_n3A_400 : vector<8x512xi1>, vector<8x512xf32>
      %broadcast_in_dim3A_431 = vector.broadcast %add3A_421 : i32 to vector<8x512xi32>
      %select_n3A_432 = arith.select %gt3A_429, %broadcast_in_dim3A_431, %select_n3A_402 : vector<8x512xi1>, vector<8x512xi32>
      %mul3A_433 = arith.constant 8 : i32
      %mul3A_434 = arith.muli %scan3A_339, %mul3A_433 : i32
      %add3A_435 = arith.constant 6 : i32
      %add3A_436 = arith.addi %mul3A_434, %add3A_435 : i32
      %mul3A_437 = arith.constant 8 : i32
      %mul3A_438 = arith.muli %add3A_436, %mul3A_437 : i32
      %get3A_439 = arith.constant 3 : index
      %get3A_440 = arith.index_cast %mul3A_438 : i32 to index
      %get3A_441 = arith.constant 0 : index
      %get3A_442 = vector.load %arg1[%get3A_439, %get3A_440, %get3A_441] : memref<8x512x512xf32, #tpu.memory_space<vmem>>, vector<1x8x512xf32>
      %get3A_443 = vector.shape_cast %get3A_442 : vector<1x8x512xf32> to vector<8x512xf32>
      %gt3A_444 = arith.cmpf ogt, %get3A_443, %select_n3A_415 : vector<8x512xf32>
      %select_n3A_445 = arith.select %gt3A_444, %get3A_443, %select_n3A_415 : vector<8x512xi1>, vector<8x512xf32>
      %broadcast_in_dim3A_446 = vector.broadcast %add3A_436 : i32 to vector<8x512xi32>
      %select_n3A_447 = arith.select %gt3A_444, %broadcast_in_dim3A_446, %select_n3A_417 : vector<8x512xi1>, vector<8x512xi32>
      %mul3A_448 = arith.constant 8 : i32
      %mul3A_449 = arith.muli %scan3A_339, %mul3A_448 : i32
      %add3A_450 = arith.constant 7 : i32
      %add3A_451 = arith.addi %mul3A_449, %add3A_450 : i32
      %mul3A_452 = arith.constant 8 : i32
      %mul3A_453 = arith.muli %add3A_451, %mul3A_452 : i32
      %get3A_454 = arith.constant 3 : index
      %get3A_455 = arith.index_cast %mul3A_453 : i32 to index
      %get3A_456 = arith.constant 0 : index
      %get3A_457 = vector.load %arg1[%get3A_454, %get3A_455, %get3A_456] : memref<8x512x512xf32, #tpu.memory_space<vmem>>, vector<1x8x512xf32>
      %get3A_458 = vector.shape_cast %get3A_457 : vector<1x8x512xf32> to vector<8x512xf32>
      %gt3A_459 = arith.cmpf ogt, %get3A_458, %select_n3A_430 : vector<8x512xf32>
      %select_n3A_460 = arith.select %gt3A_459, %get3A_458, %select_n3A_430 : vector<8x512xi1>, vector<8x512xf32>
      %broadcast_in_dim3A_461 = vector.broadcast %add3A_451 : i32 to vector<8x512xi32>
      %select_n3A_462 = arith.select %gt3A_459, %broadcast_in_dim3A_461, %select_n3A_432 : vector<8x512xi1>, vector<8x512xi32>
      scf.yield %select_n3A_445, %select_n3A_447, %select_n3A_460, %select_n3A_462 : vector<8x512xf32>, vector<8x512xi32>, vector<8x512xf32>, vector<8x512xi32>
    }
    %scan3A_129 = arith.constant 8 : i32
    %mul3A_130 = arith.constant 4096 : i32
    %mul3A_131 = vector.broadcast %mul3A_130 : i32 to vector<8x512xi32>
    %mul3A_132 = arith.muli %scan3A_128#1, %mul3A_131 : vector<8x512xi32>
    %add3A_133 = arith.addi %mul3A_132, %add3A : vector<8x512xi32>
    %mul3A_134 = arith.constant 4096 : i32
    %mul3A_135 = vector.broadcast %mul3A_134 : i32 to vector<8x512xi32>
    %mul3A_136 = arith.muli %scan3A_128#3, %mul3A_135 : vector<8x512xi32>
    %add3A_137 = arith.addi %mul3A_136, %add3A : vector<8x512xi32>
    %gt3A_138 = arith.cmpf ogt, %scan3A_128#2, %scan3A_128#0 : vector<8x512xf32>
    %eq3A_139 = arith.cmpf oeq, %scan3A_128#2, %scan3A_128#0 : vector<8x512xf32>
    %lt3A_140 = arith.cmpi slt, %add3A_137, %add3A_133 : vector<8x512xi32>
    %and3A_141 = arith.andi %eq3A_139, %lt3A_140 : vector<8x512xi1>
    %or3A_142 = arith.ori %gt3A_138, %and3A_141 : vector<8x512xi1>
    %select_n3A_143 = arith.select %or3A_142, %scan3A_128#2, %scan3A_128#0 : vector<8x512xi1>, vector<8x512xf32>
    %select_n3A_144 = arith.select %or3A_142, %add3A_137, %add3A_133 : vector<8x512xi1>, vector<8x512xi32>
    %reduce_max3A_145 = vector.shape_cast %select_n3A_143 : vector<8x512xf32> to vector<1x8x512xf32>
    %reduce_max3A_146 = arith.constant dense<0xFF800000> : vector<1xf32>
    %reduce_max3A_147 = vector.multi_reduction <maximumf>, %reduce_max3A_145, %reduce_max3A_146 [1, 2] : vector<1x8x512xf32> to vector<1xf32>
    %reduce_max3A_148 = vector.shape_cast %reduce_max3A_147 : vector<1xf32> to vector<1x1x1xf32>
    %reduce_max3A_149 = vector.extract %reduce_max3A_148[0, 0, 0] : f32 from vector<1x1x1xf32>
    %eq3A_150 = vector.broadcast %reduce_max3A_149 : f32 to vector<8x512xf32>
    %eq3A_151 = arith.cmpf oeq, %select_n3A_143, %eq3A_150 : vector<8x512xf32>
    %jit3A_152 = arith.constant 2147483647 : i32
    %broadcast_in_dim3A_153 = vector.broadcast %jit3A_152 : i32 to vector<8x512xi32>
    %select_n3A_154 = arith.select %eq3A_151, %select_n3A_144, %broadcast_in_dim3A_153 : vector<8x512xi1>, vector<8x512xi32>
    %reduce_min3A_155 = vector.shape_cast %select_n3A_154 : vector<8x512xi32> to vector<1x8x512xi32>
    %reduce_min3A_156 = arith.constant dense<2147483647> : vector<1xi32>
    %reduce_min3A_157 = vector.multi_reduction <minsi>, %reduce_min3A_155, %reduce_min3A_156 [1, 2] : vector<1x8x512xi32> to vector<1xi32>
    %reduce_min3A_158 = vector.shape_cast %reduce_min3A_157 : vector<1xi32> to vector<1x1x1xi32>
    %reduce_min3A_159 = vector.extract %reduce_min3A_158[0, 0, 0] : i32 from vector<1x1x1xi32>
    %broadcast_in_dim3A_160 = vector.broadcast %reduce_min3A_159 : i32 to vector<1x128xi32>
    %swap3A_161 = arith.constant 3 : index
    %swap3A_162 = arith.constant 0 : index
    %swap3A_163 = arith.constant 0 : index
    %swap3A_164 = vector.load %arg2[%swap3A_161, %swap3A_162, %swap3A_163] : memref<8x1x128xi32, #tpu.memory_space<vmem>>, vector<1x1x128xi32>
    %swap3A_165 = vector.shape_cast %swap3A_164 : vector<1x1x128xi32> to vector<1x128xi32>
    %swap3A_166 = vector.shape_cast %broadcast_in_dim3A_160 : vector<1x128xi32> to vector<1x1x128xi32>
    tpu.vector_store %arg2[%swap3A_161, %swap3A_162, %swap3A_163], %swap3A_166 {strides = array<i32>} : memref<8x1x128xi32, #tpu.memory_space<vmem>>, vector<1x1x128xi32>,
    %scan3A_167 = arith.constant 0 : i32
    %scan3A_168 = arith.constant 8 : i32
    %scan3A_169 = arith.addi %scan3A_167, %scan3A_168 : i32
    %scan3A_170 = arith.constant 1 : i32
    %scan3A_171:4 = scf.for %scan3A_339 = %scan3A_167 to %scan3A_169 step %scan3A_170 iter_args(%scan3A_340 = %broadcast_in_dim3A_3, %scan3A_341 = %broadcast_in_dim3A_5, %scan3A_342 = %broadcast_in_dim3A_3, %scan3A_343 = %broadcast_in_dim3A_5) -> (vector<8x512xf32>, vector<8x512xi32>, vector<8x512xf32>, vector<8x512xi32>)  : i32 {
      %mul3A_344 = arith.constant 8 : i32
      %mul3A_345 = arith.muli %scan3A_339, %mul3A_344 : i32
      %add3A_346 = arith.constant 0 : i32
      %add3A_347 = arith.addi %mul3A_345, %add3A_346 : i32
      %mul3A_348 = arith.constant 8 : i32
      %mul3A_349 = arith.muli %add3A_347, %mul3A_348 : i32
      %get3A = arith.constant 4 : index
      %get3A_350 = arith.index_cast %mul3A_349 : i32 to index
      %get3A_351 = arith.constant 0 : index
      %get3A_352 = vector.load %arg1[%get3A, %get3A_350, %get3A_351] : memref<8x512x512xf32, #tpu.memory_space<vmem>>, vector<1x8x512xf32>
      %get3A_353 = vector.shape_cast %get3A_352 : vector<1x8x512xf32> to vector<8x512xf32>
      %gt3A_354 = arith.cmpf ogt, %get3A_353, %scan3A_340 : vector<8x512xf32>
      %select_n3A_355 = arith.select %gt3A_354, %get3A_353, %scan3A_340 : vector<8x512xi1>, vector<8x512xf32>
      %broadcast_in_dim3A_356 = vector.broadcast %add3A_347 : i32 to vector<8x512xi32>
      %select_n3A_357 = arith.select %gt3A_354, %broadcast_in_dim3A_356, %scan3A_341 : vector<8x512xi1>, vector<8x512xi32>
      %mul3A_358 = arith.constant 8 : i32
      %mul3A_359 = arith.muli %scan3A_339, %mul3A_358 : i32
      %add3A_360 = arith.constant 1 : i32
      %add3A_361 = arith.addi %mul3A_359, %add3A_360 : i32
      %mul3A_362 = arith.constant 8 : i32
      %mul3A_363 = arith.muli %add3A_361, %mul3A_362 : i32
      %get3A_364 = arith.constant 4 : index
      %get3A_365 = arith.index_cast %mul3A_363 : i32 to index
      %get3A_366 = arith.constant 0 : index
      %get3A_367 = vector.load %arg1[%get3A_364, %get3A_365, %get3A_366] : memref<8x512x512xf32, #tpu.memory_space<vmem>>, vector<1x8x512xf32>
      %get3A_368 = vector.shape_cast %get3A_367 : vector<1x8x512xf32> to vector<8x512xf32>
      %gt3A_369 = arith.cmpf ogt, %get3A_368, %scan3A_342 : vector<8x512xf32>
      %select_n3A_370 = arith.select %gt3A_369, %get3A_368, %scan3A_342 : vector<8x512xi1>, vector<8x512xf32>
      %broadcast_in_dim3A_371 = vector.broadcast %add3A_361 : i32 to vector<8x512xi32>
      %select_n3A_372 = arith.select %gt3A_369, %broadcast_in_dim3A_371, %scan3A_343 : vector<8x512xi1>, vector<8x512xi32>
      %mul3A_373 = arith.constant 8 : i32
      %mul3A_374 = arith.muli %scan3A_339, %mul3A_373 : i32
      %add3A_375 = arith.constant 2 : i32
      %add3A_376 = arith.addi %mul3A_374, %add3A_375 : i32
      %mul3A_377 = arith.constant 8 : i32
      %mul3A_378 = arith.muli %add3A_376, %mul3A_377 : i32
      %get3A_379 = arith.constant 4 : index
      %get3A_380 = arith.index_cast %mul3A_378 : i32 to index
      %get3A_381 = arith.constant 0 : index
      %get3A_382 = vector.load %arg1[%get3A_379, %get3A_380, %get3A_381] : memref<8x512x512xf32, #tpu.memory_space<vmem>>, vector<1x8x512xf32>
      %get3A_383 = vector.shape_cast %get3A_382 : vector<1x8x512xf32> to vector<8x512xf32>
      %gt3A_384 = arith.cmpf ogt, %get3A_383, %select_n3A_355 : vector<8x512xf32>
      %select_n3A_385 = arith.select %gt3A_384, %get3A_383, %select_n3A_355 : vector<8x512xi1>, vector<8x512xf32>
      %broadcast_in_dim3A_386 = vector.broadcast %add3A_376 : i32 to vector<8x512xi32>
      %select_n3A_387 = arith.select %gt3A_384, %broadcast_in_dim3A_386, %select_n3A_357 : vector<8x512xi1>, vector<8x512xi32>
      %mul3A_388 = arith.constant 8 : i32
      %mul3A_389 = arith.muli %scan3A_339, %mul3A_388 : i32
      %add3A_390 = arith.constant 3 : i32
      %add3A_391 = arith.addi %mul3A_389, %add3A_390 : i32
      %mul3A_392 = arith.constant 8 : i32
      %mul3A_393 = arith.muli %add3A_391, %mul3A_392 : i32
      %get3A_394 = arith.constant 4 : index
      %get3A_395 = arith.index_cast %mul3A_393 : i32 to index
      %get3A_396 = arith.constant 0 : index
      %get3A_397 = vector.load %arg1[%get3A_394, %get3A_395, %get3A_396] : memref<8x512x512xf32, #tpu.memory_space<vmem>>, vector<1x8x512xf32>
      %get3A_398 = vector.shape_cast %get3A_397 : vector<1x8x512xf32> to vector<8x512xf32>
      %gt3A_399 = arith.cmpf ogt, %get3A_398, %select_n3A_370 : vector<8x512xf32>
      %select_n3A_400 = arith.select %gt3A_399, %get3A_398, %select_n3A_370 : vector<8x512xi1>, vector<8x512xf32>
      %broadcast_in_dim3A_401 = vector.broadcast %add3A_391 : i32 to vector<8x512xi32>
      %select_n3A_402 = arith.select %gt3A_399, %broadcast_in_dim3A_401, %select_n3A_372 : vector<8x512xi1>, vector<8x512xi32>
      %mul3A_403 = arith.constant 8 : i32
      %mul3A_404 = arith.muli %scan3A_339, %mul3A_403 : i32
      %add3A_405 = arith.constant 4 : i32
      %add3A_406 = arith.addi %mul3A_404, %add3A_405 : i32
      %mul3A_407 = arith.constant 8 : i32
      %mul3A_408 = arith.muli %add3A_406, %mul3A_407 : i32
      %get3A_409 = arith.constant 4 : index
      %get3A_410 = arith.index_cast %mul3A_408 : i32 to index
      %get3A_411 = arith.constant 0 : index
      %get3A_412 = vector.load %arg1[%get3A_409, %get3A_410, %get3A_411] : memref<8x512x512xf32, #tpu.memory_space<vmem>>, vector<1x8x512xf32>
      %get3A_413 = vector.shape_cast %get3A_412 : vector<1x8x512xf32> to vector<8x512xf32>
      %gt3A_414 = arith.cmpf ogt, %get3A_413, %select_n3A_385 : vector<8x512xf32>
      %select_n3A_415 = arith.select %gt3A_414, %get3A_413, %select_n3A_385 : vector<8x512xi1>, vector<8x512xf32>
      %broadcast_in_dim3A_416 = vector.broadcast %add3A_406 : i32 to vector<8x512xi32>
      %select_n3A_417 = arith.select %gt3A_414, %broadcast_in_dim3A_416, %select_n3A_387 : vector<8x512xi1>, vector<8x512xi32>
      %mul3A_418 = arith.constant 8 : i32
      %mul3A_419 = arith.muli %scan3A_339, %mul3A_418 : i32
      %add3A_420 = arith.constant 5 : i32
      %add3A_421 = arith.addi %mul3A_419, %add3A_420 : i32
      %mul3A_422 = arith.constant 8 : i32
      %mul3A_423 = arith.muli %add3A_421, %mul3A_422 : i32
      %get3A_424 = arith.constant 4 : index
      %get3A_425 = arith.index_cast %mul3A_423 : i32 to index
      %get3A_426 = arith.constant 0 : index
      %get3A_427 = vector.load %arg1[%get3A_424, %get3A_425, %get3A_426] : memref<8x512x512xf32, #tpu.memory_space<vmem>>, vector<1x8x512xf32>
      %get3A_428 = vector.shape_cast %get3A_427 : vector<1x8x512xf32> to vector<8x512xf32>
      %gt3A_429 = arith.cmpf ogt, %get3A_428, %select_n3A_400 : vector<8x512xf32>
      %select_n3A_430 = arith.select %gt3A_429, %get3A_428, %select_n3A_400 : vector<8x512xi1>, vector<8x512xf32>
      %broadcast_in_dim3A_431 = vector.broadcast %add3A_421 : i32 to vector<8x512xi32>
      %select_n3A_432 = arith.select %gt3A_429, %broadcast_in_dim3A_431, %select_n3A_402 : vector<8x512xi1>, vector<8x512xi32>
      %mul3A_433 = arith.constant 8 : i32
      %mul3A_434 = arith.muli %scan3A_339, %mul3A_433 : i32
      %add3A_435 = arith.constant 6 : i32
      %add3A_436 = arith.addi %mul3A_434, %add3A_435 : i32
      %mul3A_437 = arith.constant 8 : i32
      %mul3A_438 = arith.muli %add3A_436, %mul3A_437 : i32
      %get3A_439 = arith.constant 4 : index
      %get3A_440 = arith.index_cast %mul3A_438 : i32 to index
      %get3A_441 = arith.constant 0 : index
      %get3A_442 = vector.load %arg1[%get3A_439, %get3A_440, %get3A_441] : memref<8x512x512xf32, #tpu.memory_space<vmem>>, vector<1x8x512xf32>
      %get3A_443 = vector.shape_cast %get3A_442 : vector<1x8x512xf32> to vector<8x512xf32>
      %gt3A_444 = arith.cmpf ogt, %get3A_443, %select_n3A_415 : vector<8x512xf32>
      %select_n3A_445 = arith.select %gt3A_444, %get3A_443, %select_n3A_415 : vector<8x512xi1>, vector<8x512xf32>
      %broadcast_in_dim3A_446 = vector.broadcast %add3A_436 : i32 to vector<8x512xi32>
      %select_n3A_447 = arith.select %gt3A_444, %broadcast_in_dim3A_446, %select_n3A_417 : vector<8x512xi1>, vector<8x512xi32>
      %mul3A_448 = arith.constant 8 : i32
      %mul3A_449 = arith.muli %scan3A_339, %mul3A_448 : i32
      %add3A_450 = arith.constant 7 : i32
      %add3A_451 = arith.addi %mul3A_449, %add3A_450 : i32
      %mul3A_452 = arith.constant 8 : i32
      %mul3A_453 = arith.muli %add3A_451, %mul3A_452 : i32
      %get3A_454 = arith.constant 4 : index
      %get3A_455 = arith.index_cast %mul3A_453 : i32 to index
      %get3A_456 = arith.constant 0 : index
      %get3A_457 = vector.load %arg1[%get3A_454, %get3A_455, %get3A_456] : memref<8x512x512xf32, #tpu.memory_space<vmem>>, vector<1x8x512xf32>
      %get3A_458 = vector.shape_cast %get3A_457 : vector<1x8x512xf32> to vector<8x512xf32>
      %gt3A_459 = arith.cmpf ogt, %get3A_458, %select_n3A_430 : vector<8x512xf32>
      %select_n3A_460 = arith.select %gt3A_459, %get3A_458, %select_n3A_430 : vector<8x512xi1>, vector<8x512xf32>
      %broadcast_in_dim3A_461 = vector.broadcast %add3A_451 : i32 to vector<8x512xi32>
      %select_n3A_462 = arith.select %gt3A_459, %broadcast_in_dim3A_461, %select_n3A_432 : vector<8x512xi1>, vector<8x512xi32>
      scf.yield %select_n3A_445, %select_n3A_447, %select_n3A_460, %select_n3A_462 : vector<8x512xf32>, vector<8x512xi32>, vector<8x512xf32>, vector<8x512xi32>
    }
    %scan3A_172 = arith.constant 8 : i32
    %mul3A_173 = arith.constant 4096 : i32
    %mul3A_174 = vector.broadcast %mul3A_173 : i32 to vector<8x512xi32>
    %mul3A_175 = arith.muli %scan3A_171#1, %mul3A_174 : vector<8x512xi32>
    %add3A_176 = arith.addi %mul3A_175, %add3A : vector<8x512xi32>
    %mul3A_177 = arith.constant 4096 : i32
    %mul3A_178 = vector.broadcast %mul3A_177 : i32 to vector<8x512xi32>
    %mul3A_179 = arith.muli %scan3A_171#3, %mul3A_178 : vector<8x512xi32>
    %add3A_180 = arith.addi %mul3A_179, %add3A : vector<8x512xi32>
    %gt3A_181 = arith.cmpf ogt, %scan3A_171#2, %scan3A_171#0 : vector<8x512xf32>
    %eq3A_182 = arith.cmpf oeq, %scan3A_171#2, %scan3A_171#0 : vector<8x512xf32>
    %lt3A_183 = arith.cmpi slt, %add3A_180, %add3A_176 : vector<8x512xi32>
    %and3A_184 = arith.andi %eq3A_182, %lt3A_183 : vector<8x512xi1>
    %or3A_185 = arith.ori %gt3A_181, %and3A_184 : vector<8x512xi1>
    %select_n3A_186 = arith.select %or3A_185, %scan3A_171#2, %scan3A_171#0 : vector<8x512xi1>, vector<8x512xf32>
    %select_n3A_187 = arith.select %or3A_185, %add3A_180, %add3A_176 : vector<8x512xi1>, vector<8x512xi32>
    %reduce_max3A_188 = vector.shape_cast %select_n3A_186 : vector<8x512xf32> to vector<1x8x512xf32>
    %reduce_max3A_189 = arith.constant dense<0xFF800000> : vector<1xf32>
    %reduce_max3A_190 = vector.multi_reduction <maximumf>, %reduce_max3A_188, %reduce_max3A_189 [1, 2] : vector<1x8x512xf32> to vector<1xf32>
    %reduce_max3A_191 = vector.shape_cast %reduce_max3A_190 : vector<1xf32> to vector<1x1x1xf32>
    %reduce_max3A_192 = vector.extract %reduce_max3A_191[0, 0, 0] : f32 from vector<1x1x1xf32>
    %eq3A_193 = vector.broadcast %reduce_max3A_192 : f32 to vector<8x512xf32>
    %eq3A_194 = arith.cmpf oeq, %select_n3A_186, %eq3A_193 : vector<8x512xf32>
    %jit3A_195 = arith.constant 2147483647 : i32
    %broadcast_in_dim3A_196 = vector.broadcast %jit3A_195 : i32 to vector<8x512xi32>
    %select_n3A_197 = arith.select %eq3A_194, %select_n3A_187, %broadcast_in_dim3A_196 : vector<8x512xi1>, vector<8x512xi32>
    %reduce_min3A_198 = vector.shape_cast %select_n3A_197 : vector<8x512xi32> to vector<1x8x512xi32>
    %reduce_min3A_199 = arith.constant dense<2147483647> : vector<1xi32>
    %reduce_min3A_200 = vector.multi_reduction <minsi>, %reduce_min3A_198, %reduce_min3A_199 [1, 2] : vector<1x8x512xi32> to vector<1xi32>
    %reduce_min3A_201 = vector.shape_cast %reduce_min3A_200 : vector<1xi32> to vector<1x1x1xi32>
    %reduce_min3A_202 = vector.extract %reduce_min3A_201[0, 0, 0] : i32 from vector<1x1x1xi32>
    %broadcast_in_dim3A_203 = vector.broadcast %reduce_min3A_202 : i32 to vector<1x128xi32>
    %swap3A_204 = arith.constant 4 : index
    %swap3A_205 = arith.constant 0 : index
    %swap3A_206 = arith.constant 0 : index
    %swap3A_207 = vector.load %arg2[%swap3A_204, %swap3A_205, %swap3A_206] : memref<8x1x128xi32, #tpu.memory_space<vmem>>, vector<1x1x128xi32>
    %swap3A_208 = vector.shape_cast %swap3A_207 : vector<1x1x128xi32> to vector<1x128xi32>
    %swap3A_209 = vector.shape_cast %broadcast_in_dim3A_203 : vector<1x128xi32> to vector<1x1x128xi32>
    tpu.vector_store %arg2[%swap3A_204, %swap3A_205, %swap3A_206], %swap3A_209 {strides = array<i32>} : memref<8x1x128xi32, #tpu.memory_space<vmem>>, vector<1x1x128xi32>,
    %scan3A_210 = arith.constant 0 : i32
    %scan3A_211 = arith.constant 8 : i32
    %scan3A_212 = arith.addi %scan3A_210, %scan3A_211 : i32
    %scan3A_213 = arith.constant 1 : i32
    %scan3A_214:4 = scf.for %scan3A_339 = %scan3A_210 to %scan3A_212 step %scan3A_213 iter_args(%scan3A_340 = %broadcast_in_dim3A_3, %scan3A_341 = %broadcast_in_dim3A_5, %scan3A_342 = %broadcast_in_dim3A_3, %scan3A_343 = %broadcast_in_dim3A_5) -> (vector<8x512xf32>, vector<8x512xi32>, vector<8x512xf32>, vector<8x512xi32>)  : i32 {
      %mul3A_344 = arith.constant 8 : i32
      %mul3A_345 = arith.muli %scan3A_339, %mul3A_344 : i32
      %add3A_346 = arith.constant 0 : i32
      %add3A_347 = arith.addi %mul3A_345, %add3A_346 : i32
      %mul3A_348 = arith.constant 8 : i32
      %mul3A_349 = arith.muli %add3A_347, %mul3A_348 : i32
      %get3A = arith.constant 5 : index
      %get3A_350 = arith.index_cast %mul3A_349 : i32 to index
      %get3A_351 = arith.constant 0 : index
      %get3A_352 = vector.load %arg1[%get3A, %get3A_350, %get3A_351] : memref<8x512x512xf32, #tpu.memory_space<vmem>>, vector<1x8x512xf32>
      %get3A_353 = vector.shape_cast %get3A_352 : vector<1x8x512xf32> to vector<8x512xf32>
      %gt3A_354 = arith.cmpf ogt, %get3A_353, %scan3A_340 : vector<8x512xf32>
      %select_n3A_355 = arith.select %gt3A_354, %get3A_353, %scan3A_340 : vector<8x512xi1>, vector<8x512xf32>
      %broadcast_in_dim3A_356 = vector.broadcast %add3A_347 : i32 to vector<8x512xi32>
      %select_n3A_357 = arith.select %gt3A_354, %broadcast_in_dim3A_356, %scan3A_341 : vector<8x512xi1>, vector<8x512xi32>
      %mul3A_358 = arith.constant 8 : i32
      %mul3A_359 = arith.muli %scan3A_339, %mul3A_358 : i32
      %add3A_360 = arith.constant 1 : i32
      %add3A_361 = arith.addi %mul3A_359, %add3A_360 : i32
      %mul3A_362 = arith.constant 8 : i32
      %mul3A_363 = arith.muli %add3A_361, %mul3A_362 : i32
      %get3A_364 = arith.constant 5 : index
      %get3A_365 = arith.index_cast %mul3A_363 : i32 to index
      %get3A_366 = arith.constant 0 : index
      %get3A_367 = vector.load %arg1[%get3A_364, %get3A_365, %get3A_366] : memref<8x512x512xf32, #tpu.memory_space<vmem>>, vector<1x8x512xf32>
      %get3A_368 = vector.shape_cast %get3A_367 : vector<1x8x512xf32> to vector<8x512xf32>
      %gt3A_369 = arith.cmpf ogt, %get3A_368, %scan3A_342 : vector<8x512xf32>
      %select_n3A_370 = arith.select %gt3A_369, %get3A_368, %scan3A_342 : vector<8x512xi1>, vector<8x512xf32>
      %broadcast_in_dim3A_371 = vector.broadcast %add3A_361 : i32 to vector<8x512xi32>
      %select_n3A_372 = arith.select %gt3A_369, %broadcast_in_dim3A_371, %scan3A_343 : vector<8x512xi1>, vector<8x512xi32>
      %mul3A_373 = arith.constant 8 : i32
      %mul3A_374 = arith.muli %scan3A_339, %mul3A_373 : i32
      %add3A_375 = arith.constant 2 : i32
      %add3A_376 = arith.addi %mul3A_374, %add3A_375 : i32
      %mul3A_377 = arith.constant 8 : i32
      %mul3A_378 = arith.muli %add3A_376, %mul3A_377 : i32
      %get3A_379 = arith.constant 5 : index
      %get3A_380 = arith.index_cast %mul3A_378 : i32 to index
      %get3A_381 = arith.constant 0 : index
      %get3A_382 = vector.load %arg1[%get3A_379, %get3A_380, %get3A_381] : memref<8x512x512xf32, #tpu.memory_space<vmem>>, vector<1x8x512xf32>
      %get3A_383 = vector.shape_cast %get3A_382 : vector<1x8x512xf32> to vector<8x512xf32>
      %gt3A_384 = arith.cmpf ogt, %get3A_383, %select_n3A_355 : vector<8x512xf32>
      %select_n3A_385 = arith.select %gt3A_384, %get3A_383, %select_n3A_355 : vector<8x512xi1>, vector<8x512xf32>
      %broadcast_in_dim3A_386 = vector.broadcast %add3A_376 : i32 to vector<8x512xi32>
      %select_n3A_387 = arith.select %gt3A_384, %broadcast_in_dim3A_386, %select_n3A_357 : vector<8x512xi1>, vector<8x512xi32>
      %mul3A_388 = arith.constant 8 : i32
      %mul3A_389 = arith.muli %scan3A_339, %mul3A_388 : i32
      %add3A_390 = arith.constant 3 : i32
      %add3A_391 = arith.addi %mul3A_389, %add3A_390 : i32
      %mul3A_392 = arith.constant 8 : i32
      %mul3A_393 = arith.muli %add3A_391, %mul3A_392 : i32
      %get3A_394 = arith.constant 5 : index
      %get3A_395 = arith.index_cast %mul3A_393 : i32 to index
      %get3A_396 = arith.constant 0 : index
      %get3A_397 = vector.load %arg1[%get3A_394, %get3A_395, %get3A_396] : memref<8x512x512xf32, #tpu.memory_space<vmem>>, vector<1x8x512xf32>
      %get3A_398 = vector.shape_cast %get3A_397 : vector<1x8x512xf32> to vector<8x512xf32>
      %gt3A_399 = arith.cmpf ogt, %get3A_398, %select_n3A_370 : vector<8x512xf32>
      %select_n3A_400 = arith.select %gt3A_399, %get3A_398, %select_n3A_370 : vector<8x512xi1>, vector<8x512xf32>
      %broadcast_in_dim3A_401 = vector.broadcast %add3A_391 : i32 to vector<8x512xi32>
      %select_n3A_402 = arith.select %gt3A_399, %broadcast_in_dim3A_401, %select_n3A_372 : vector<8x512xi1>, vector<8x512xi32>
      %mul3A_403 = arith.constant 8 : i32
      %mul3A_404 = arith.muli %scan3A_339, %mul3A_403 : i32
      %add3A_405 = arith.constant 4 : i32
      %add3A_406 = arith.addi %mul3A_404, %add3A_405 : i32
      %mul3A_407 = arith.constant 8 : i32
      %mul3A_408 = arith.muli %add3A_406, %mul3A_407 : i32
      %get3A_409 = arith.constant 5 : index
      %get3A_410 = arith.index_cast %mul3A_408 : i32 to index
      %get3A_411 = arith.constant 0 : index
      %get3A_412 = vector.load %arg1[%get3A_409, %get3A_410, %get3A_411] : memref<8x512x512xf32, #tpu.memory_space<vmem>>, vector<1x8x512xf32>
      %get3A_413 = vector.shape_cast %get3A_412 : vector<1x8x512xf32> to vector<8x512xf32>
      %gt3A_414 = arith.cmpf ogt, %get3A_413, %select_n3A_385 : vector<8x512xf32>
      %select_n3A_415 = arith.select %gt3A_414, %get3A_413, %select_n3A_385 : vector<8x512xi1>, vector<8x512xf32>
      %broadcast_in_dim3A_416 = vector.broadcast %add3A_406 : i32 to vector<8x512xi32>
      %select_n3A_417 = arith.select %gt3A_414, %broadcast_in_dim3A_416, %select_n3A_387 : vector<8x512xi1>, vector<8x512xi32>
      %mul3A_418 = arith.constant 8 : i32
      %mul3A_419 = arith.muli %scan3A_339, %mul3A_418 : i32
      %add3A_420 = arith.constant 5 : i32
      %add3A_421 = arith.addi %mul3A_419, %add3A_420 : i32
      %mul3A_422 = arith.constant 8 : i32
      %mul3A_423 = arith.muli %add3A_421, %mul3A_422 : i32
      %get3A_424 = arith.constant 5 : index
      %get3A_425 = arith.index_cast %mul3A_423 : i32 to index
      %get3A_426 = arith.constant 0 : index
      %get3A_427 = vector.load %arg1[%get3A_424, %get3A_425, %get3A_426] : memref<8x512x512xf32, #tpu.memory_space<vmem>>, vector<1x8x512xf32>
      %get3A_428 = vector.shape_cast %get3A_427 : vector<1x8x512xf32> to vector<8x512xf32>
      %gt3A_429 = arith.cmpf ogt, %get3A_428, %select_n3A_400 : vector<8x512xf32>
      %select_n3A_430 = arith.select %gt3A_429, %get3A_428, %select_n3A_400 : vector<8x512xi1>, vector<8x512xf32>
      %broadcast_in_dim3A_431 = vector.broadcast %add3A_421 : i32 to vector<8x512xi32>
      %select_n3A_432 = arith.select %gt3A_429, %broadcast_in_dim3A_431, %select_n3A_402 : vector<8x512xi1>, vector<8x512xi32>
      %mul3A_433 = arith.constant 8 : i32
      %mul3A_434 = arith.muli %scan3A_339, %mul3A_433 : i32
      %add3A_435 = arith.constant 6 : i32
      %add3A_436 = arith.addi %mul3A_434, %add3A_435 : i32
      %mul3A_437 = arith.constant 8 : i32
      %mul3A_438 = arith.muli %add3A_436, %mul3A_437 : i32
      %get3A_439 = arith.constant 5 : index
      %get3A_440 = arith.index_cast %mul3A_438 : i32 to index
      %get3A_441 = arith.constant 0 : index
      %get3A_442 = vector.load %arg1[%get3A_439, %get3A_440, %get3A_441] : memref<8x512x512xf32, #tpu.memory_space<vmem>>, vector<1x8x512xf32>
      %get3A_443 = vector.shape_cast %get3A_442 : vector<1x8x512xf32> to vector<8x512xf32>
      %gt3A_444 = arith.cmpf ogt, %get3A_443, %select_n3A_415 : vector<8x512xf32>
      %select_n3A_445 = arith.select %gt3A_444, %get3A_443, %select_n3A_415 : vector<8x512xi1>, vector<8x512xf32>
      %broadcast_in_dim3A_446 = vector.broadcast %add3A_436 : i32 to vector<8x512xi32>
      %select_n3A_447 = arith.select %gt3A_444, %broadcast_in_dim3A_446, %select_n3A_417 : vector<8x512xi1>, vector<8x512xi32>
      %mul3A_448 = arith.constant 8 : i32
      %mul3A_449 = arith.muli %scan3A_339, %mul3A_448 : i32
      %add3A_450 = arith.constant 7 : i32
      %add3A_451 = arith.addi %mul3A_449, %add3A_450 : i32
      %mul3A_452 = arith.constant 8 : i32
      %mul3A_453 = arith.muli %add3A_451, %mul3A_452 : i32
      %get3A_454 = arith.constant 5 : index
      %get3A_455 = arith.index_cast %mul3A_453 : i32 to index
      %get3A_456 = arith.constant 0 : index
      %get3A_457 = vector.load %arg1[%get3A_454, %get3A_455, %get3A_456] : memref<8x512x512xf32, #tpu.memory_space<vmem>>, vector<1x8x512xf32>
      %get3A_458 = vector.shape_cast %get3A_457 : vector<1x8x512xf32> to vector<8x512xf32>
      %gt3A_459 = arith.cmpf ogt, %get3A_458, %select_n3A_430 : vector<8x512xf32>
      %select_n3A_460 = arith.select %gt3A_459, %get3A_458, %select_n3A_430 : vector<8x512xi1>, vector<8x512xf32>
      %broadcast_in_dim3A_461 = vector.broadcast %add3A_451 : i32 to vector<8x512xi32>
      %select_n3A_462 = arith.select %gt3A_459, %broadcast_in_dim3A_461, %select_n3A_432 : vector<8x512xi1>, vector<8x512xi32>
      scf.yield %select_n3A_445, %select_n3A_447, %select_n3A_460, %select_n3A_462 : vector<8x512xf32>, vector<8x512xi32>, vector<8x512xf32>, vector<8x512xi32>
    }
    %scan3A_215 = arith.constant 8 : i32
    %mul3A_216 = arith.constant 4096 : i32
    %mul3A_217 = vector.broadcast %mul3A_216 : i32 to vector<8x512xi32>
    %mul3A_218 = arith.muli %scan3A_214#1, %mul3A_217 : vector<8x512xi32>
    %add3A_219 = arith.addi %mul3A_218, %add3A : vector<8x512xi32>
    %mul3A_220 = arith.constant 4096 : i32
    %mul3A_221 = vector.broadcast %mul3A_220 : i32 to vector<8x512xi32>
    %mul3A_222 = arith.muli %scan3A_214#3, %mul3A_221 : vector<8x512xi32>
    %add3A_223 = arith.addi %mul3A_222, %add3A : vector<8x512xi32>
    %gt3A_224 = arith.cmpf ogt, %scan3A_214#2, %scan3A_214#0 : vector<8x512xf32>
    %eq3A_225 = arith.cmpf oeq, %scan3A_214#2, %scan3A_214#0 : vector<8x512xf32>
    %lt3A_226 = arith.cmpi slt, %add3A_223, %add3A_219 : vector<8x512xi32>
    %and3A_227 = arith.andi %eq3A_225, %lt3A_226 : vector<8x512xi1>
    %or3A_228 = arith.ori %gt3A_224, %and3A_227 : vector<8x512xi1>
    %select_n3A_229 = arith.select %or3A_228, %scan3A_214#2, %scan3A_214#0 : vector<8x512xi1>, vector<8x512xf32>
    %select_n3A_230 = arith.select %or3A_228, %add3A_223, %add3A_219 : vector<8x512xi1>, vector<8x512xi32>
    %reduce_max3A_231 = vector.shape_cast %select_n3A_229 : vector<8x512xf32> to vector<1x8x512xf32>
    %reduce_max3A_232 = arith.constant dense<0xFF800000> : vector<1xf32>
    %reduce_max3A_233 = vector.multi_reduction <maximumf>, %reduce_max3A_231, %reduce_max3A_232 [1, 2] : vector<1x8x512xf32> to vector<1xf32>
    %reduce_max3A_234 = vector.shape_cast %reduce_max3A_233 : vector<1xf32> to vector<1x1x1xf32>
    %reduce_max3A_235 = vector.extract %reduce_max3A_234[0, 0, 0] : f32 from vector<1x1x1xf32>
    %eq3A_236 = vector.broadcast %reduce_max3A_235 : f32 to vector<8x512xf32>
    %eq3A_237 = arith.cmpf oeq, %select_n3A_229, %eq3A_236 : vector<8x512xf32>
    %jit3A_238 = arith.constant 2147483647 : i32
    %broadcast_in_dim3A_239 = vector.broadcast %jit3A_238 : i32 to vector<8x512xi32>
    %select_n3A_240 = arith.select %eq3A_237, %select_n3A_230, %broadcast_in_dim3A_239 : vector<8x512xi1>, vector<8x512xi32>
    %reduce_min3A_241 = vector.shape_cast %select_n3A_240 : vector<8x512xi32> to vector<1x8x512xi32>
    %reduce_min3A_242 = arith.constant dense<2147483647> : vector<1xi32>
    %reduce_min3A_243 = vector.multi_reduction <minsi>, %reduce_min3A_241, %reduce_min3A_242 [1, 2] : vector<1x8x512xi32> to vector<1xi32>
    %reduce_min3A_244 = vector.shape_cast %reduce_min3A_243 : vector<1xi32> to vector<1x1x1xi32>
    %reduce_min3A_245 = vector.extract %reduce_min3A_244[0, 0, 0] : i32 from vector<1x1x1xi32>
    %broadcast_in_dim3A_246 = vector.broadcast %reduce_min3A_245 : i32 to vector<1x128xi32>
    %swap3A_247 = arith.constant 5 : index
    %swap3A_248 = arith.constant 0 : index
    %swap3A_249 = arith.constant 0 : index
    %swap3A_250 = vector.load %arg2[%swap3A_247, %swap3A_248, %swap3A_249] : memref<8x1x128xi32, #tpu.memory_space<vmem>>, vector<1x1x128xi32>
    %swap3A_251 = vector.shape_cast %swap3A_250 : vector<1x1x128xi32> to vector<1x128xi32>
    %swap3A_252 = vector.shape_cast %broadcast_in_dim3A_246 : vector<1x128xi32> to vector<1x1x128xi32>
    tpu.vector_store %arg2[%swap3A_247, %swap3A_248, %swap3A_249], %swap3A_252 {strides = array<i32>} : memref<8x1x128xi32, #tpu.memory_space<vmem>>, vector<1x1x128xi32>,
    %scan3A_253 = arith.constant 0 : i32
    %scan3A_254 = arith.constant 8 : i32
    %scan3A_255 = arith.addi %scan3A_253, %scan3A_254 : i32
    %scan3A_256 = arith.constant 1 : i32
    %scan3A_257:4 = scf.for %scan3A_339 = %scan3A_253 to %scan3A_255 step %scan3A_256 iter_args(%scan3A_340 = %broadcast_in_dim3A_3, %scan3A_341 = %broadcast_in_dim3A_5, %scan3A_342 = %broadcast_in_dim3A_3, %scan3A_343 = %broadcast_in_dim3A_5) -> (vector<8x512xf32>, vector<8x512xi32>, vector<8x512xf32>, vector<8x512xi32>)  : i32 {
      %mul3A_344 = arith.constant 8 : i32
      %mul3A_345 = arith.muli %scan3A_339, %mul3A_344 : i32
      %add3A_346 = arith.constant 0 : i32
      %add3A_347 = arith.addi %mul3A_345, %add3A_346 : i32
      %mul3A_348 = arith.constant 8 : i32
      %mul3A_349 = arith.muli %add3A_347, %mul3A_348 : i32
      %get3A = arith.constant 6 : index
      %get3A_350 = arith.index_cast %mul3A_349 : i32 to index
      %get3A_351 = arith.constant 0 : index
      %get3A_352 = vector.load %arg1[%get3A, %get3A_350, %get3A_351] : memref<8x512x512xf32, #tpu.memory_space<vmem>>, vector<1x8x512xf32>
      %get3A_353 = vector.shape_cast %get3A_352 : vector<1x8x512xf32> to vector<8x512xf32>
      %gt3A_354 = arith.cmpf ogt, %get3A_353, %scan3A_340 : vector<8x512xf32>
      %select_n3A_355 = arith.select %gt3A_354, %get3A_353, %scan3A_340 : vector<8x512xi1>, vector<8x512xf32>
      %broadcast_in_dim3A_356 = vector.broadcast %add3A_347 : i32 to vector<8x512xi32>
      %select_n3A_357 = arith.select %gt3A_354, %broadcast_in_dim3A_356, %scan3A_341 : vector<8x512xi1>, vector<8x512xi32>
      %mul3A_358 = arith.constant 8 : i32
      %mul3A_359 = arith.muli %scan3A_339, %mul3A_358 : i32
      %add3A_360 = arith.constant 1 : i32
      %add3A_361 = arith.addi %mul3A_359, %add3A_360 : i32
      %mul3A_362 = arith.constant 8 : i32
      %mul3A_363 = arith.muli %add3A_361, %mul3A_362 : i32
      %get3A_364 = arith.constant 6 : index
      %get3A_365 = arith.index_cast %mul3A_363 : i32 to index
      %get3A_366 = arith.constant 0 : index
      %get3A_367 = vector.load %arg1[%get3A_364, %get3A_365, %get3A_366] : memref<8x512x512xf32, #tpu.memory_space<vmem>>, vector<1x8x512xf32>
      %get3A_368 = vector.shape_cast %get3A_367 : vector<1x8x512xf32> to vector<8x512xf32>
      %gt3A_369 = arith.cmpf ogt, %get3A_368, %scan3A_342 : vector<8x512xf32>
      %select_n3A_370 = arith.select %gt3A_369, %get3A_368, %scan3A_342 : vector<8x512xi1>, vector<8x512xf32>
      %broadcast_in_dim3A_371 = vector.broadcast %add3A_361 : i32 to vector<8x512xi32>
      %select_n3A_372 = arith.select %gt3A_369, %broadcast_in_dim3A_371, %scan3A_343 : vector<8x512xi1>, vector<8x512xi32>
      %mul3A_373 = arith.constant 8 : i32
      %mul3A_374 = arith.muli %scan3A_339, %mul3A_373 : i32
      %add3A_375 = arith.constant 2 : i32
      %add3A_376 = arith.addi %mul3A_374, %add3A_375 : i32
      %mul3A_377 = arith.constant 8 : i32
      %mul3A_378 = arith.muli %add3A_376, %mul3A_377 : i32
      %get3A_379 = arith.constant 6 : index
      %get3A_380 = arith.index_cast %mul3A_378 : i32 to index
      %get3A_381 = arith.constant 0 : index
      %get3A_382 = vector.load %arg1[%get3A_379, %get3A_380, %get3A_381] : memref<8x512x512xf32, #tpu.memory_space<vmem>>, vector<1x8x512xf32>
      %get3A_383 = vector.shape_cast %get3A_382 : vector<1x8x512xf32> to vector<8x512xf32>
      %gt3A_384 = arith.cmpf ogt, %get3A_383, %select_n3A_355 : vector<8x512xf32>
      %select_n3A_385 = arith.select %gt3A_384, %get3A_383, %select_n3A_355 : vector<8x512xi1>, vector<8x512xf32>
      %broadcast_in_dim3A_386 = vector.broadcast %add3A_376 : i32 to vector<8x512xi32>
      %select_n3A_387 = arith.select %gt3A_384, %broadcast_in_dim3A_386, %select_n3A_357 : vector<8x512xi1>, vector<8x512xi32>
      %mul3A_388 = arith.constant 8 : i32
      %mul3A_389 = arith.muli %scan3A_339, %mul3A_388 : i32
      %add3A_390 = arith.constant 3 : i32
      %add3A_391 = arith.addi %mul3A_389, %add3A_390 : i32
      %mul3A_392 = arith.constant 8 : i32
      %mul3A_393 = arith.muli %add3A_391, %mul3A_392 : i32
      %get3A_394 = arith.constant 6 : index
      %get3A_395 = arith.index_cast %mul3A_393 : i32 to index
      %get3A_396 = arith.constant 0 : index
      %get3A_397 = vector.load %arg1[%get3A_394, %get3A_395, %get3A_396] : memref<8x512x512xf32, #tpu.memory_space<vmem>>, vector<1x8x512xf32>
      %get3A_398 = vector.shape_cast %get3A_397 : vector<1x8x512xf32> to vector<8x512xf32>
      %gt3A_399 = arith.cmpf ogt, %get3A_398, %select_n3A_370 : vector<8x512xf32>
      %select_n3A_400 = arith.select %gt3A_399, %get3A_398, %select_n3A_370 : vector<8x512xi1>, vector<8x512xf32>
      %broadcast_in_dim3A_401 = vector.broadcast %add3A_391 : i32 to vector<8x512xi32>
      %select_n3A_402 = arith.select %gt3A_399, %broadcast_in_dim3A_401, %select_n3A_372 : vector<8x512xi1>, vector<8x512xi32>
      %mul3A_403 = arith.constant 8 : i32
      %mul3A_404 = arith.muli %scan3A_339, %mul3A_403 : i32
      %add3A_405 = arith.constant 4 : i32
      %add3A_406 = arith.addi %mul3A_404, %add3A_405 : i32
      %mul3A_407 = arith.constant 8 : i32
      %mul3A_408 = arith.muli %add3A_406, %mul3A_407 : i32
      %get3A_409 = arith.constant 6 : index
      %get3A_410 = arith.index_cast %mul3A_408 : i32 to index
      %get3A_411 = arith.constant 0 : index
      %get3A_412 = vector.load %arg1[%get3A_409, %get3A_410, %get3A_411] : memref<8x512x512xf32, #tpu.memory_space<vmem>>, vector<1x8x512xf32>
      %get3A_413 = vector.shape_cast %get3A_412 : vector<1x8x512xf32> to vector<8x512xf32>
      %gt3A_414 = arith.cmpf ogt, %get3A_413, %select_n3A_385 : vector<8x512xf32>
      %select_n3A_415 = arith.select %gt3A_414, %get3A_413, %select_n3A_385 : vector<8x512xi1>, vector<8x512xf32>
      %broadcast_in_dim3A_416 = vector.broadcast %add3A_406 : i32 to vector<8x512xi32>
      %select_n3A_417 = arith.select %gt3A_414, %broadcast_in_dim3A_416, %select_n3A_387 : vector<8x512xi1>, vector<8x512xi32>
      %mul3A_418 = arith.constant 8 : i32
      %mul3A_419 = arith.muli %scan3A_339, %mul3A_418 : i32
      %add3A_420 = arith.constant 5 : i32
      %add3A_421 = arith.addi %mul3A_419, %add3A_420 : i32
      %mul3A_422 = arith.constant 8 : i32
      %mul3A_423 = arith.muli %add3A_421, %mul3A_422 : i32
      %get3A_424 = arith.constant 6 : index
      %get3A_425 = arith.index_cast %mul3A_423 : i32 to index
      %get3A_426 = arith.constant 0 : index
      %get3A_427 = vector.load %arg1[%get3A_424, %get3A_425, %get3A_426] : memref<8x512x512xf32, #tpu.memory_space<vmem>>, vector<1x8x512xf32>
      %get3A_428 = vector.shape_cast %get3A_427 : vector<1x8x512xf32> to vector<8x512xf32>
      %gt3A_429 = arith.cmpf ogt, %get3A_428, %select_n3A_400 : vector<8x512xf32>
      %select_n3A_430 = arith.select %gt3A_429, %get3A_428, %select_n3A_400 : vector<8x512xi1>, vector<8x512xf32>
      %broadcast_in_dim3A_431 = vector.broadcast %add3A_421 : i32 to vector<8x512xi32>
      %select_n3A_432 = arith.select %gt3A_429, %broadcast_in_dim3A_431, %select_n3A_402 : vector<8x512xi1>, vector<8x512xi32>
      %mul3A_433 = arith.constant 8 : i32
      %mul3A_434 = arith.muli %scan3A_339, %mul3A_433 : i32
      %add3A_435 = arith.constant 6 : i32
      %add3A_436 = arith.addi %mul3A_434, %add3A_435 : i32
      %mul3A_437 = arith.constant 8 : i32
      %mul3A_438 = arith.muli %add3A_436, %mul3A_437 : i32
      %get3A_439 = arith.constant 6 : index
      %get3A_440 = arith.index_cast %mul3A_438 : i32 to index
      %get3A_441 = arith.constant 0 : index
      %get3A_442 = vector.load %arg1[%get3A_439, %get3A_440, %get3A_441] : memref<8x512x512xf32, #tpu.memory_space<vmem>>, vector<1x8x512xf32>
      %get3A_443 = vector.shape_cast %get3A_442 : vector<1x8x512xf32> to vector<8x512xf32>
      %gt3A_444 = arith.cmpf ogt, %get3A_443, %select_n3A_415 : vector<8x512xf32>
      %select_n3A_445 = arith.select %gt3A_444, %get3A_443, %select_n3A_415 : vector<8x512xi1>, vector<8x512xf32>
      %broadcast_in_dim3A_446 = vector.broadcast %add3A_436 : i32 to vector<8x512xi32>
      %select_n3A_447 = arith.select %gt3A_444, %broadcast_in_dim3A_446, %select_n3A_417 : vector<8x512xi1>, vector<8x512xi32>
      %mul3A_448 = arith.constant 8 : i32
      %mul3A_449 = arith.muli %scan3A_339, %mul3A_448 : i32
      %add3A_450 = arith.constant 7 : i32
      %add3A_451 = arith.addi %mul3A_449, %add3A_450 : i32
      %mul3A_452 = arith.constant 8 : i32
      %mul3A_453 = arith.muli %add3A_451, %mul3A_452 : i32
      %get3A_454 = arith.constant 6 : index
      %get3A_455 = arith.index_cast %mul3A_453 : i32 to index
      %get3A_456 = arith.constant 0 : index
      %get3A_457 = vector.load %arg1[%get3A_454, %get3A_455, %get3A_456] : memref<8x512x512xf32, #tpu.memory_space<vmem>>, vector<1x8x512xf32>
      %get3A_458 = vector.shape_cast %get3A_457 : vector<1x8x512xf32> to vector<8x512xf32>
      %gt3A_459 = arith.cmpf ogt, %get3A_458, %select_n3A_430 : vector<8x512xf32>
      %select_n3A_460 = arith.select %gt3A_459, %get3A_458, %select_n3A_430 : vector<8x512xi1>, vector<8x512xf32>
      %broadcast_in_dim3A_461 = vector.broadcast %add3A_451 : i32 to vector<8x512xi32>
      %select_n3A_462 = arith.select %gt3A_459, %broadcast_in_dim3A_461, %select_n3A_432 : vector<8x512xi1>, vector<8x512xi32>
      scf.yield %select_n3A_445, %select_n3A_447, %select_n3A_460, %select_n3A_462 : vector<8x512xf32>, vector<8x512xi32>, vector<8x512xf32>, vector<8x512xi32>
    }
    %scan3A_258 = arith.constant 8 : i32
    %mul3A_259 = arith.constant 4096 : i32
    %mul3A_260 = vector.broadcast %mul3A_259 : i32 to vector<8x512xi32>
    %mul3A_261 = arith.muli %scan3A_257#1, %mul3A_260 : vector<8x512xi32>
    %add3A_262 = arith.addi %mul3A_261, %add3A : vector<8x512xi32>
    %mul3A_263 = arith.constant 4096 : i32
    %mul3A_264 = vector.broadcast %mul3A_263 : i32 to vector<8x512xi32>
    %mul3A_265 = arith.muli %scan3A_257#3, %mul3A_264 : vector<8x512xi32>
    %add3A_266 = arith.addi %mul3A_265, %add3A : vector<8x512xi32>
    %gt3A_267 = arith.cmpf ogt, %scan3A_257#2, %scan3A_257#0 : vector<8x512xf32>
    %eq3A_268 = arith.cmpf oeq, %scan3A_257#2, %scan3A_257#0 : vector<8x512xf32>
    %lt3A_269 = arith.cmpi slt, %add3A_266, %add3A_262 : vector<8x512xi32>
    %and3A_270 = arith.andi %eq3A_268, %lt3A_269 : vector<8x512xi1>
    %or3A_271 = arith.ori %gt3A_267, %and3A_270 : vector<8x512xi1>
    %select_n3A_272 = arith.select %or3A_271, %scan3A_257#2, %scan3A_257#0 : vector<8x512xi1>, vector<8x512xf32>
    %select_n3A_273 = arith.select %or3A_271, %add3A_266, %add3A_262 : vector<8x512xi1>, vector<8x512xi32>
    %reduce_max3A_274 = vector.shape_cast %select_n3A_272 : vector<8x512xf32> to vector<1x8x512xf32>
    %reduce_max3A_275 = arith.constant dense<0xFF800000> : vector<1xf32>
    %reduce_max3A_276 = vector.multi_reduction <maximumf>, %reduce_max3A_274, %reduce_max3A_275 [1, 2] : vector<1x8x512xf32> to vector<1xf32>
    %reduce_max3A_277 = vector.shape_cast %reduce_max3A_276 : vector<1xf32> to vector<1x1x1xf32>
    %reduce_max3A_278 = vector.extract %reduce_max3A_277[0, 0, 0] : f32 from vector<1x1x1xf32>
    %eq3A_279 = vector.broadcast %reduce_max3A_278 : f32 to vector<8x512xf32>
    %eq3A_280 = arith.cmpf oeq, %select_n3A_272, %eq3A_279 : vector<8x512xf32>
    %jit3A_281 = arith.constant 2147483647 : i32
    %broadcast_in_dim3A_282 = vector.broadcast %jit3A_281 : i32 to vector<8x512xi32>
    %select_n3A_283 = arith.select %eq3A_280, %select_n3A_273, %broadcast_in_dim3A_282 : vector<8x512xi1>, vector<8x512xi32>
    %reduce_min3A_284 = vector.shape_cast %select_n3A_283 : vector<8x512xi32> to vector<1x8x512xi32>
    %reduce_min3A_285 = arith.constant dense<2147483647> : vector<1xi32>
    %reduce_min3A_286 = vector.multi_reduction <minsi>, %reduce_min3A_284, %reduce_min3A_285 [1, 2] : vector<1x8x512xi32> to vector<1xi32>
    %reduce_min3A_287 = vector.shape_cast %reduce_min3A_286 : vector<1xi32> to vector<1x1x1xi32>
    %reduce_min3A_288 = vector.extract %reduce_min3A_287[0, 0, 0] : i32 from vector<1x1x1xi32>
    %broadcast_in_dim3A_289 = vector.broadcast %reduce_min3A_288 : i32 to vector<1x128xi32>
    %swap3A_290 = arith.constant 6 : index
    %swap3A_291 = arith.constant 0 : index
    %swap3A_292 = arith.constant 0 : index
    %swap3A_293 = vector.load %arg2[%swap3A_290, %swap3A_291, %swap3A_292] : memref<8x1x128xi32, #tpu.memory_space<vmem>>, vector<1x1x128xi32>
    %swap3A_294 = vector.shape_cast %swap3A_293 : vector<1x1x128xi32> to vector<1x128xi32>
    %swap3A_295 = vector.shape_cast %broadcast_in_dim3A_289 : vector<1x128xi32> to vector<1x1x128xi32>
    tpu.vector_store %arg2[%swap3A_290, %swap3A_291, %swap3A_292], %swap3A_295 {strides = array<i32>} : memref<8x1x128xi32, #tpu.memory_space<vmem>>, vector<1x1x128xi32>,
    %scan3A_296 = arith.constant 0 : i32
    %scan3A_297 = arith.constant 8 : i32
    %scan3A_298 = arith.addi %scan3A_296, %scan3A_297 : i32
    %scan3A_299 = arith.constant 1 : i32
    %scan3A_300:4 = scf.for %scan3A_339 = %scan3A_296 to %scan3A_298 step %scan3A_299 iter_args(%scan3A_340 = %broadcast_in_dim3A_3, %scan3A_341 = %broadcast_in_dim3A_5, %scan3A_342 = %broadcast_in_dim3A_3, %scan3A_343 = %broadcast_in_dim3A_5) -> (vector<8x512xf32>, vector<8x512xi32>, vector<8x512xf32>, vector<8x512xi32>)  : i32 {
      %mul3A_344 = arith.constant 8 : i32
      %mul3A_345 = arith.muli %scan3A_339, %mul3A_344 : i32
      %add3A_346 = arith.constant 0 : i32
      %add3A_347 = arith.addi %mul3A_345, %add3A_346 : i32
      %mul3A_348 = arith.constant 8 : i32
      %mul3A_349 = arith.muli %add3A_347, %mul3A_348 : i32
      %get3A = arith.constant 7 : index
      %get3A_350 = arith.index_cast %mul3A_349 : i32 to index
      %get3A_351 = arith.constant 0 : index
      %get3A_352 = vector.load %arg1[%get3A, %get3A_350, %get3A_351] : memref<8x512x512xf32, #tpu.memory_space<vmem>>, vector<1x8x512xf32>
      %get3A_353 = vector.shape_cast %get3A_352 : vector<1x8x512xf32> to vector<8x512xf32>
      %gt3A_354 = arith.cmpf ogt, %get3A_353, %scan3A_340 : vector<8x512xf32>
      %select_n3A_355 = arith.select %gt3A_354, %get3A_353, %scan3A_340 : vector<8x512xi1>, vector<8x512xf32>
      %broadcast_in_dim3A_356 = vector.broadcast %add3A_347 : i32 to vector<8x512xi32>
      %select_n3A_357 = arith.select %gt3A_354, %broadcast_in_dim3A_356, %scan3A_341 : vector<8x512xi1>, vector<8x512xi32>
      %mul3A_358 = arith.constant 8 : i32
      %mul3A_359 = arith.muli %scan3A_339, %mul3A_358 : i32
      %add3A_360 = arith.constant 1 : i32
      %add3A_361 = arith.addi %mul3A_359, %add3A_360 : i32
      %mul3A_362 = arith.constant 8 : i32
      %mul3A_363 = arith.muli %add3A_361, %mul3A_362 : i32
      %get3A_364 = arith.constant 7 : index
      %get3A_365 = arith.index_cast %mul3A_363 : i32 to index
      %get3A_366 = arith.constant 0 : index
      %get3A_367 = vector.load %arg1[%get3A_364, %get3A_365, %get3A_366] : memref<8x512x512xf32, #tpu.memory_space<vmem>>, vector<1x8x512xf32>
      %get3A_368 = vector.shape_cast %get3A_367 : vector<1x8x512xf32> to vector<8x512xf32>
      %gt3A_369 = arith.cmpf ogt, %get3A_368, %scan3A_342 : vector<8x512xf32>
      %select_n3A_370 = arith.select %gt3A_369, %get3A_368, %scan3A_342 : vector<8x512xi1>, vector<8x512xf32>
      %broadcast_in_dim3A_371 = vector.broadcast %add3A_361 : i32 to vector<8x512xi32>
      %select_n3A_372 = arith.select %gt3A_369, %broadcast_in_dim3A_371, %scan3A_343 : vector<8x512xi1>, vector<8x512xi32>
      %mul3A_373 = arith.constant 8 : i32
      %mul3A_374 = arith.muli %scan3A_339, %mul3A_373 : i32
      %add3A_375 = arith.constant 2 : i32
      %add3A_376 = arith.addi %mul3A_374, %add3A_375 : i32
      %mul3A_377 = arith.constant 8 : i32
      %mul3A_378 = arith.muli %add3A_376, %mul3A_377 : i32
      %get3A_379 = arith.constant 7 : index
      %get3A_380 = arith.index_cast %mul3A_378 : i32 to index
      %get3A_381 = arith.constant 0 : index
      %get3A_382 = vector.load %arg1[%get3A_379, %get3A_380, %get3A_381] : memref<8x512x512xf32, #tpu.memory_space<vmem>>, vector<1x8x512xf32>
      %get3A_383 = vector.shape_cast %get3A_382 : vector<1x8x512xf32> to vector<8x512xf32>
      %gt3A_384 = arith.cmpf ogt, %get3A_383, %select_n3A_355 : vector<8x512xf32>
      %select_n3A_385 = arith.select %gt3A_384, %get3A_383, %select_n3A_355 : vector<8x512xi1>, vector<8x512xf32>
      %broadcast_in_dim3A_386 = vector.broadcast %add3A_376 : i32 to vector<8x512xi32>
      %select_n3A_387 = arith.select %gt3A_384, %broadcast_in_dim3A_386, %select_n3A_357 : vector<8x512xi1>, vector<8x512xi32>
      %mul3A_388 = arith.constant 8 : i32
      %mul3A_389 = arith.muli %scan3A_339, %mul3A_388 : i32
      %add3A_390 = arith.constant 3 : i32
      %add3A_391 = arith.addi %mul3A_389, %add3A_390 : i32
      %mul3A_392 = arith.constant 8 : i32
      %mul3A_393 = arith.muli %add3A_391, %mul3A_392 : i32
      %get3A_394 = arith.constant 7 : index
      %get3A_395 = arith.index_cast %mul3A_393 : i32 to index
      %get3A_396 = arith.constant 0 : index
      %get3A_397 = vector.load %arg1[%get3A_394, %get3A_395, %get3A_396] : memref<8x512x512xf32, #tpu.memory_space<vmem>>, vector<1x8x512xf32>
      %get3A_398 = vector.shape_cast %get3A_397 : vector<1x8x512xf32> to vector<8x512xf32>
      %gt3A_399 = arith.cmpf ogt, %get3A_398, %select_n3A_370 : vector<8x512xf32>
      %select_n3A_400 = arith.select %gt3A_399, %get3A_398, %select_n3A_370 : vector<8x512xi1>, vector<8x512xf32>
      %broadcast_in_dim3A_401 = vector.broadcast %add3A_391 : i32 to vector<8x512xi32>
      %select_n3A_402 = arith.select %gt3A_399, %broadcast_in_dim3A_401, %select_n3A_372 : vector<8x512xi1>, vector<8x512xi32>
      %mul3A_403 = arith.constant 8 : i32
      %mul3A_404 = arith.muli %scan3A_339, %mul3A_403 : i32
      %add3A_405 = arith.constant 4 : i32
      %add3A_406 = arith.addi %mul3A_404, %add3A_405 : i32
      %mul3A_407 = arith.constant 8 : i32
      %mul3A_408 = arith.muli %add3A_406, %mul3A_407 : i32
      %get3A_409 = arith.constant 7 : index
      %get3A_410 = arith.index_cast %mul3A_408 : i32 to index
      %get3A_411 = arith.constant 0 : index
      %get3A_412 = vector.load %arg1[%get3A_409, %get3A_410, %get3A_411] : memref<8x512x512xf32, #tpu.memory_space<vmem>>, vector<1x8x512xf32>
      %get3A_413 = vector.shape_cast %get3A_412 : vector<1x8x512xf32> to vector<8x512xf32>
      %gt3A_414 = arith.cmpf ogt, %get3A_413, %select_n3A_385 : vector<8x512xf32>
      %select_n3A_415 = arith.select %gt3A_414, %get3A_413, %select_n3A_385 : vector<8x512xi1>, vector<8x512xf32>
      %broadcast_in_dim3A_416 = vector.broadcast %add3A_406 : i32 to vector<8x512xi32>
      %select_n3A_417 = arith.select %gt3A_414, %broadcast_in_dim3A_416, %select_n3A_387 : vector<8x512xi1>, vector<8x512xi32>
      %mul3A_418 = arith.constant 8 : i32
      %mul3A_419 = arith.muli %scan3A_339, %mul3A_418 : i32
      %add3A_420 = arith.constant 5 : i32
      %add3A_421 = arith.addi %mul3A_419, %add3A_420 : i32
      %mul3A_422 = arith.constant 8 : i32
      %mul3A_423 = arith.muli %add3A_421, %mul3A_422 : i32
      %get3A_424 = arith.constant 7 : index
      %get3A_425 = arith.index_cast %mul3A_423 : i32 to index
      %get3A_426 = arith.constant 0 : index
      %get3A_427 = vector.load %arg1[%get3A_424, %get3A_425, %get3A_426] : memref<8x512x512xf32, #tpu.memory_space<vmem>>, vector<1x8x512xf32>
      %get3A_428 = vector.shape_cast %get3A_427 : vector<1x8x512xf32> to vector<8x512xf32>
      %gt3A_429 = arith.cmpf ogt, %get3A_428, %select_n3A_400 : vector<8x512xf32>
      %select_n3A_430 = arith.select %gt3A_429, %get3A_428, %select_n3A_400 : vector<8x512xi1>, vector<8x512xf32>
      %broadcast_in_dim3A_431 = vector.broadcast %add3A_421 : i32 to vector<8x512xi32>
      %select_n3A_432 = arith.select %gt3A_429, %broadcast_in_dim3A_431, %select_n3A_402 : vector<8x512xi1>, vector<8x512xi32>
      %mul3A_433 = arith.constant 8 : i32
      %mul3A_434 = arith.muli %scan3A_339, %mul3A_433 : i32
      %add3A_435 = arith.constant 6 : i32
      %add3A_436 = arith.addi %mul3A_434, %add3A_435 : i32
      %mul3A_437 = arith.constant 8 : i32
      %mul3A_438 = arith.muli %add3A_436, %mul3A_437 : i32
      %get3A_439 = arith.constant 7 : index
      %get3A_440 = arith.index_cast %mul3A_438 : i32 to index
      %get3A_441 = arith.constant 0 : index
      %get3A_442 = vector.load %arg1[%get3A_439, %get3A_440, %get3A_441] : memref<8x512x512xf32, #tpu.memory_space<vmem>>, vector<1x8x512xf32>
      %get3A_443 = vector.shape_cast %get3A_442 : vector<1x8x512xf32> to vector<8x512xf32>
      %gt3A_444 = arith.cmpf ogt, %get3A_443, %select_n3A_415 : vector<8x512xf32>
      %select_n3A_445 = arith.select %gt3A_444, %get3A_443, %select_n3A_415 : vector<8x512xi1>, vector<8x512xf32>
      %broadcast_in_dim3A_446 = vector.broadcast %add3A_436 : i32 to vector<8x512xi32>
      %select_n3A_447 = arith.select %gt3A_444, %broadcast_in_dim3A_446, %select_n3A_417 : vector<8x512xi1>, vector<8x512xi32>
      %mul3A_448 = arith.constant 8 : i32
      %mul3A_449 = arith.muli %scan3A_339, %mul3A_448 : i32
      %add3A_450 = arith.constant 7 : i32
      %add3A_451 = arith.addi %mul3A_449, %add3A_450 : i32
      %mul3A_452 = arith.constant 8 : i32
      %mul3A_453 = arith.muli %add3A_451, %mul3A_452 : i32
      %get3A_454 = arith.constant 7 : index
      %get3A_455 = arith.index_cast %mul3A_453 : i32 to index
      %get3A_456 = arith.constant 0 : index
      %get3A_457 = vector.load %arg1[%get3A_454, %get3A_455, %get3A_456] : memref<8x512x512xf32, #tpu.memory_space<vmem>>, vector<1x8x512xf32>
      %get3A_458 = vector.shape_cast %get3A_457 : vector<1x8x512xf32> to vector<8x512xf32>
      %gt3A_459 = arith.cmpf ogt, %get3A_458, %select_n3A_430 : vector<8x512xf32>
      %select_n3A_460 = arith.select %gt3A_459, %get3A_458, %select_n3A_430 : vector<8x512xi1>, vector<8x512xf32>
      %broadcast_in_dim3A_461 = vector.broadcast %add3A_451 : i32 to vector<8x512xi32>
      %select_n3A_462 = arith.select %gt3A_459, %broadcast_in_dim3A_461, %select_n3A_432 : vector<8x512xi1>, vector<8x512xi32>
      scf.yield %select_n3A_445, %select_n3A_447, %select_n3A_460, %select_n3A_462 : vector<8x512xf32>, vector<8x512xi32>, vector<8x512xf32>, vector<8x512xi32>
    }
    %scan3A_301 = arith.constant 8 : i32
    %mul3A_302 = arith.constant 4096 : i32
    %mul3A_303 = vector.broadcast %mul3A_302 : i32 to vector<8x512xi32>
    %mul3A_304 = arith.muli %scan3A_300#1, %mul3A_303 : vector<8x512xi32>
    %add3A_305 = arith.addi %mul3A_304, %add3A : vector<8x512xi32>
    %mul3A_306 = arith.constant 4096 : i32
    %mul3A_307 = vector.broadcast %mul3A_306 : i32 to vector<8x512xi32>
    %mul3A_308 = arith.muli %scan3A_300#3, %mul3A_307 : vector<8x512xi32>
    %add3A_309 = arith.addi %mul3A_308, %add3A : vector<8x512xi32>
    %gt3A_310 = arith.cmpf ogt, %scan3A_300#2, %scan3A_300#0 : vector<8x512xf32>
    %eq3A_311 = arith.cmpf oeq, %scan3A_300#2, %scan3A_300#0 : vector<8x512xf32>
    %lt3A_312 = arith.cmpi slt, %add3A_309, %add3A_305 : vector<8x512xi32>
    %and3A_313 = arith.andi %eq3A_311, %lt3A_312 : vector<8x512xi1>
    %or3A_314 = arith.ori %gt3A_310, %and3A_313 : vector<8x512xi1>
    %select_n3A_315 = arith.select %or3A_314, %scan3A_300#2, %scan3A_300#0 : vector<8x512xi1>, vector<8x512xf32>
    %select_n3A_316 = arith.select %or3A_314, %add3A_309, %add3A_305 : vector<8x512xi1>, vector<8x512xi32>
    %reduce_max3A_317 = vector.shape_cast %select_n3A_315 : vector<8x512xf32> to vector<1x8x512xf32>
    %reduce_max3A_318 = arith.constant dense<0xFF800000> : vector<1xf32>
    %reduce_max3A_319 = vector.multi_reduction <maximumf>, %reduce_max3A_317, %reduce_max3A_318 [1, 2] : vector<1x8x512xf32> to vector<1xf32>
    %reduce_max3A_320 = vector.shape_cast %reduce_max3A_319 : vector<1xf32> to vector<1x1x1xf32>
    %reduce_max3A_321 = vector.extract %reduce_max3A_320[0, 0, 0] : f32 from vector<1x1x1xf32>
    %eq3A_322 = vector.broadcast %reduce_max3A_321 : f32 to vector<8x512xf32>
    %eq3A_323 = arith.cmpf oeq, %select_n3A_315, %eq3A_322 : vector<8x512xf32>
    %jit3A_324 = arith.constant 2147483647 : i32
    %broadcast_in_dim3A_325 = vector.broadcast %jit3A_324 : i32 to vector<8x512xi32>
    %select_n3A_326 = arith.select %eq3A_323, %select_n3A_316, %broadcast_in_dim3A_325 : vector<8x512xi1>, vector<8x512xi32>
    %reduce_min3A_327 = vector.shape_cast %select_n3A_326 : vector<8x512xi32> to vector<1x8x512xi32>
    %reduce_min3A_328 = arith.constant dense<2147483647> : vector<1xi32>
    %reduce_min3A_329 = vector.multi_reduction <minsi>, %reduce_min3A_327, %reduce_min3A_328 [1, 2] : vector<1x8x512xi32> to vector<1xi32>
    %reduce_min3A_330 = vector.shape_cast %reduce_min3A_329 : vector<1xi32> to vector<1x1x1xi32>
    %reduce_min3A_331 = vector.extract %reduce_min3A_330[0, 0, 0] : i32 from vector<1x1x1xi32>
    %broadcast_in_dim3A_332 = vector.broadcast %reduce_min3A_331 : i32 to vector<1x128xi32>
    %swap3A_333 = arith.constant 7 : index
    %swap3A_334 = arith.constant 0 : index
    %swap3A_335 = arith.constant 0 : index
    %swap3A_336 = vector.load %arg2[%swap3A_333, %swap3A_334, %swap3A_335] : memref<8x1x128xi32, #tpu.memory_space<vmem>>, vector<1x1x128xi32>
    %swap3A_337 = vector.shape_cast %swap3A_336 : vector<1x1x128xi32> to vector<1x128xi32>
    %swap3A_338 = vector.shape_cast %broadcast_in_dim3A_332 : vector<1x128xi32> to vector<1x1x128xi32>
    tpu.vector_store %arg2[%swap3A_333, %swap3A_334, %swap3A_335], %swap3A_338 {strides = array<i32>} : memref<8x1x128xi32, #tpu.memory_space<vmem>>, vector<1x1x128xi32>,
    return
  }
  func.func @transform_0(%arg0: i32) -> (i32, i32, i32) {
    %c0_i32 = arith.constant 0 : i32
    %c0_i32_0 = arith.constant 0 : i32
    %c0_i32_1 = arith.constant 0 : i32
    return %arg0, %c0_i32, %c0_i32_0 : i32, i32, i32
  }
  func.func @transform_1(%arg0: i32) -> (i32, i32, i32) {
    %c0_i32 = arith.constant 0 : i32
    %c0_i32_0 = arith.constant 0 : i32
    %c0_i32_1 = arith.constant 0 : i32
    return %arg0, %c0_i32, %c0_i32_0 : i32, i32, i32
  }
}

</mosaic_0001>

<sc_bundles>
// kernel: kernel.4.cloned.1.call-start
scs
__scs_entry_jumppad:
0x0: {  	(pc) =	sbr.rel $0x88, $3  }
0x1: {  	(tag) =	ssettag $0x0;
	lr =	simm.s32 $0x1  }
0x2: {  	[smem:$0x3F9E] =	sst lr;
	_ =	strace $0xD0000000  }
0x3: {  	_ = 	snop  }
0x4: {  	_ = 	snop  }
0x5: {  	_ = 	snop  }
0x6: {  	_ = 	snop  }
0x7: {  	_ = 	snop  }
__scs_overlays_trampoline_lowered:
0x8: {  	[smem:$0x3FAD] =	sst s0  }
0x9: {  	[smem:$0x3FAE] =	sst s1  }
0xa: {  	[smem:$0x3FAF] =	sst s2  }
0xb: {  	[smem:$0x3FB0] =	sst s3  }
0xc: {  	[smem:$0x3FB1] =	sst s4  }
0xd: {  	[smem:$0x3FB2] =	sst s5  }
0xe: {  	[smem:$0x3FB3] =	sst s6  }
0xf: {  	[smem:$0x3FB4] =	sst s7  }
0x10: {  	[smem:$0x3FB5] =	sst s8  }
0x11: {  	[smem:$0x3FB6] =	sst s9;
	s0 =	simm.s32 @!p0 $0x0  }
0x12: {  	s1 =	sld [smem:$0x3F9C];
	s0 =	simm.s32 @p0 $0x1  }
0x13: {  	[smem:$0x3FB7] =	sst s0;
	s0 =	simm.s32 @!p1 $0x0  }
0x14: {  	s2 =	sld [smem:$0x3F9B];
	s0 =	simm.s32 @p1 $0x1  }
0x15: {  	[smem:$0x3FB8] =	sst s0;
	s0 =	simm.s32 @!p2 $0x0  }
0x16: {  	s3 =	sld [smem:$0x3FDB];
	s0 =	simm.s32 @p2 $0x1  }
0x17: {  	s4 =	simm.s32 $0x1BF5;
	[smem:$0x3FBA] =	sst s0  }
0x18: {  	s0 =	sld [smem:$0x3F9D];
	_ =	swait.ge [sflag:s4], $0x0  }
0x19: {  	s7 =	sld [smem:$0x3F9E]  }
0x1a: {  	s8 =	sadd.s32 $0xFFFFE003, lr  }
0x1b: {  	s9 =	sadd.s32 $0xFFFFFEF7, lr;
	s5 =	simm.s32 $0xFFFFFFFF;
	p2 =	slt.u32 s8, $0xFFFFF086  }
0x1c: {  	p1 =	slt.u32 s9, $0xF7A;
	s5 =	simm.s32 @!p2 $0x0  }
0x1d: {  	s5 =	simm.s32 @p1 $0x1;
	p0 =	seq.s32 s7, s2  }
0x1e: {  	s7 =	smul.u32 @!p0 $0xF7A, s2;
	p2 =	seq.s32 @!p0 s5, $0x0  }
0x1f: {  	s9 =	smul.u32 $0xF7A, s1;
	s8 =	simm.s32 @!p0 $0x1BF5;
	p2 =	por !p2, p0  }
0x20: {  	[sflag:s8] =	ssyncset.s32 @!p0 $0xFFFFF086;
	s6 =	sadd.s32 @!p0 s3, s7;
	s7 =	simm.s32 @!p0 $0x108  }
0x21: {  	s3 =	sadd.s32 s3, s9;
	s6 =	sadd.s32 @!p0 $0x88, s6;
	s7 =	simm.s32 @p2 $0x1082  }
0x22: {  	[simem:s7], [sflag:s8] =	dma.local @!p0 [hbm:s6], $0xF7A  }
0x23: {  	s9 =	sor.u32 $0xD0000000, s2;
	s6 =	simm.s32 $0x108;
	_ =	swait.ge @!p0 [sflag:s8], $0x0  }
0x24: {  	s3 =	sadd.s32 $0x88, s3;
	s6 =	simm.s32 @!p1 $0x1082;
	[sflag:s4] =	ssyncset.s32 $0xFFFFF086  }
0x25: {  	[simem:s6], [sflag:s4] =	dma.local [hbm:s3], $0xF7A  }
0x26: {  	[smem:$0x3F9E] =	sst s1;
	(tag) =	ssettag s2;
	_ =	strace s9  }
0x27: {  	s1 =	sld [smem:$0x3FAE]  }
0x28: {  	s2 =	sld [smem:$0x3FAF]  }
0x29: {  	s4 =	sld [smem:$0x3FB1]  }
0x2a: {  	p0 =	seq.s32 s5, $0x0;
	s5 =	sld [smem:$0x3FB2]  }
0x2b: {  	s6 =	sld [smem:$0x3FB3]  }
0x2c: {  	s7 =	sld [smem:$0x3FB4]  }
0x2d: {  	s3 =	simm.s32 $0x108;
	s8 =	sld [smem:$0x3FB5]  }
0x2e: {  	s3 =	simm.s32 @!p0 $0x1082;
	s9 =	sld [smem:$0x3FB6]  }
0x2f: {  	lr =	sadd.s32 s0, s3;
	s0 =	sld [smem:$0x3FAD]  }
0x30: {  	s3 =	sld [smem:$0x3FB0]  }
0x31: {  	[smem:$0x3FB9] =	sst s10  }
0x32: {  	s10 =	sld [smem:$0x3FB7];
	_ =	sdelay $0x3  }
0x33: {  	p0 =	seq.s32 s10, $0x1;
	s10 =	sld [smem:$0x3FB9];
	_ =	sdelay $0x3  }
0x34: {  	[smem:$0x3FB9] =	sst s10  }
0x35: {  	s10 =	sld [smem:$0x3FB8];
	_ =	sdelay $0x3  }
0x36: {  	p1 =	seq.s32 s10, $0x1;
	s10 =	sld [smem:$0x3FB9];
	_ =	sdelay $0x3  }
0x37: {  	[smem:$0x3FB9] =	sst s10  }
0x38: {  	s10 =	sld [smem:$0x3FBA]  }
0x39: {  	_ = 	snop;
	(pc) =	sbr.ind lr, $3  }
0x3a: {  	_ = 	snop  }
0x3b: {  	_ = 	snop  }
0x3c: {  	p2 =	seq.s32 s10, $0x1;
	s10 =	sld [smem:$0x3FB9]  }
0x3d: {  	_ =	shalt  }
0x3e: {  	_ =	shalt  }
0x3f: {  	_ =	shalt  }
0x40: {  	_ =	shalt  }
0x41: {  	_ =	shalt  }
0x42: {  	_ =	shalt  }
0x43: {  	_ =	shalt  }
0x44: {  	_ =	shalt  }
0x45: {  	_ =	shalt  }
0x46: {  	_ =	shalt  }
0x47: {  	_ =	shalt  }
0x48: {  	_ =	shalt  }
0x49: {  	_ =	shalt  }
0x4a: {  	_ =	shalt  }
0x4b: {  	_ =	shalt  }
0x4c: {  	_ =	shalt  }
0x4d: {  	_ =	shalt  }
0x4e: {  	_ =	shalt  }
0x4f: {  	_ =	shalt  }
0x50: {  	_ =	shalt  }
0x51: {  	_ =	shalt  }
0x52: {  	_ =	shalt  }
0x53: {  	_ =	shalt  }
0x54: {  	_ =	shalt  }
0x55: {  	_ =	shalt  }
0x56: {  	_ =	shalt  }
0x57: {  	_ =	shalt  }
0x58: {  	_ =	shalt  }
0x59: {  	_ =	shalt  }
0x5a: {  	_ =	shalt  }
0x5b: {  	_ =	shalt  }
0x5c: {  	_ =	shalt  }
0x5d: {  	_ =	shalt  }
0x5e: {  	_ =	shalt  }
0x5f: {  	_ =	shalt  }
0x60: {  	_ =	shalt  }
0x61: {  	_ =	shalt  }
0x62: {  	_ =	shalt  }
0x63: {  	_ =	shalt  }
0x64: {  	_ =	shalt  }
0x65: {  	_ =	shalt  }
0x66: {  	_ =	shalt  }
0x67: {  	_ =	shalt  }
0x68: {  	_ =	shalt  }
0x69: {  	_ =	shalt  }
0x6a: {  	_ =	shalt  }
0x6b: {  	_ =	shalt  }
0x6c: {  	_ =	shalt  }
0x6d: {  	_ =	shalt  }
0x6e: {  	_ =	shalt  }
0x6f: {  	_ =	shalt  }
0x70: {  	_ =	shalt  }
0x71: {  	_ =	shalt  }
0x72: {  	_ =	shalt  }
0x73: {  	_ =	shalt  }
0x74: {  	_ =	shalt  }
0x75: {  	_ =	shalt  }
0x76: {  	_ =	shalt  }
0x77: {  	_ =	shalt  }
0x78: {  	_ =	shalt  }
0x79: {  	_ =	shalt  }
0x7a: {  	_ =	shalt  }
0x7b: {  	_ =	shalt  }
0x7c: {  	_ =	shalt  }
0x7d: {  	_ =	shalt  }
0x7e: {  	_ =	shalt  }
0x7f: {  	_ =	shalt  }
0x80: {  	_ =	shalt  }
0x81: {  	_ =	shalt  }
0x82: {  	_ =	shalt  }
0x83: {  	_ =	shalt  }
0x84: {  	_ =	shalt  }
0x85: {  	_ =	shalt  }
0x86: {  	_ =	shalt  }
0x87: {  	_ =	shalt  }
.Lfunc_end0:
.L_simem_size_0:
called_computation_lowered:
.L_overlay_start_0:
0x88: {  	s2 =	sld [smem:$0x3FD9]  }
0x89: {  	s3 =	sld [smem:$0x3FFE];
	_ =	sdelay $0x1  }
0x8a: {  	s1 =	srdreg.scid  }
0x8b: {  	s0 =	sand.u32 $0x1, s1  }
0x8c: {  	s17 =	sshll.u32 s0, $0xA;
	s2 =	sadd.s32 s3, s2  }
0x8d: {  	s2 =	sadd.s32 s2, s17  }
0x8e: {  	[smem:$0x3FC5] =	sst s2  }
0x8f: {  	_ = 	snop  }
0x90: {  	s2 =	sld [smem:$0x3FC8]  }
0x91: {  	s18 =	sld [smem:$0x3FC7]  }
0x92: {  	s4 =	sld [smem:$0x3FD0];
	(tm) =	ssettm $0x1  }
0x93: {  	s5 =	sld [smem:$0x3FFB];
	_ =	sdelay $0x3  }
0x94: {  	_ =	strace s5  }
0x95: {  	s5 =	sld [smem:$0x3FFC];
	_ =	sdelay $0x3  }
0x96: {  	_ =	strace s5  }
0x97: {  	s5 =	sld [smem:$0x3FFD];
	_ =	sdelay $0x3  }
0x98: {  	_ =	strace s5  }
0x99: {  	_ =	strace $0x8FFFFFFF  }
0x9a: {  	s19 =	sld [smem:$0x3FDB];
	_ =	sdelay $0x1  }
0x9b: {  	s6 =	simm.s32 $_scs_section_size  }
0x9c: {  	s7 =	simm.s32 $_size__tile_overlayer_lowered;
	s8 =	simm.s32 $_tile_overlayer_lowered  }
0x9d: {  	s22 =	simm.s32 $0x1BFF;
	s21 =	sshll.u32 s8, $0x1;
	s5 =	sadd.s32 s6, s19  }
0x9e: {  	s9 =	simm.s32 $0x0;
	s20 =	sshll.u32 s7, $0x1;
	s7 =	sadd.s32 s21, s5  }
0x9f: {  	[timem:s9], [sflag:s22] =	dma.local [hbm:s7], s20  }
0xa0: {  	_ =	swait.ge [sflag:s22], s20  }
0xa1: {  	s6 =	ssub.s32 $0x0, s20;
	[sflag:s22] =	ssyncset.done $0x0  }
0xa2: {  	[sflag:s22] =	ssyncadd.s32 s6;
	_ =	sdelay $0x1  }
0xa3: {  	s23 =	simm.s32 $0x1B8B  }
0xa4: {  	_ =	swait.ge [sflag:s23], $0x1  }
0xa5: {  	[sflag:s23] =	ssyncset.done $0x0  }
0xa6: {  	s25 =	simm.s32 $0x1B8E;
	s24 =	sld [smem:$0x3FFE];
	[sflag:s23] =	ssyncadd.s32 $0xFFFFFFFF  }
0xa7: {  	s26 =	simm.s32 $execute0_lowered;
	[smem:$0x3FD2] =	sst s25  }
0xa8: {  	s7 =	sshll.u32 s26, $0x1;
	_ =	strace $0x80000046;
	[dreg:$0x1] =	wrdreg $0xFFFFFFFF  }
0xa9: {  	s28 =	simm.s32 $_size_execute0_lowered;
	s5 =	sadd.s32 s5, s7;
	[dreg:$0x0] =	wrdreg $0x0  }
0xaa: {  	s7 =	sshll.u32 s28, $0x1;
	[dreg:$0x2] =	wrdreg s5  }
0xab: {  	[dreg:$0x3] =	wrdreg s7  }
0xac: {  	[dreg:$0x4] =	wrdreg $0xC0  }
0xad: {  	_ =	task [dreg:s9], $0x5FFFF  }
0xae: {  	[dreg:$0x1] =	wrdreg $0xFFFFFFFF  }
0xaf: {  	[dreg:$0x0] =	wrdreg $0x60  }
0xb0: {  	[dreg:$0x2] =	wrdreg s4  }
0xb1: {  	[dreg:$0x3] =	wrdreg s2  }
0xb2: {  	[dreg:$0x4] =	wrdreg s18  }
0xb3: {  	[dreg:$0x5] =	wrdreg s24  }
0xb4: {  	[dreg:$0x6] =	wrdreg $0x9  }
0xb5: {  	_ =	task.clear_ibuf [dreg:s9], $0x7FFFF;
	_ =	strace $0x90000046  }
0xb6: {  	s29 =	simm.s32 $0x9;
	_ =	strace $0x80000048  }
0xb7: {  	_ =	swait.ge [sflag:s29], $0x1  }
0xb8: {  	[sflag:s29] =	ssyncadd.s32 $0xFFFFFFFF  }
0xb9: {  	_ =	strace $0x90000048  }
0xba: {  	_ =	sfence  }
0xbb: {  	s30 =	sld [smem:$0x0];
	_ =	sdelay $0x2  }
0xbc: {  	s31 =	sshll.u32 s1, $0xD;
	s1 =	sshrl.u32 s1, $0x2  }
0xbd: {  	s3 =	sand.u32 $0x4000, s31;
	s1 =	sadd.s32 s1, s30  }
0xbe: {  	s0 =	sor.u32 s3, s0;
	s1 =	sshll.u32 s1, $0x11  }
0xbf: {  	s0 =	sor.u32 s1, s0  }
0xc0: {  	s0 =	sadd.s32 $0x8F2B, s0  }
0xc1: {  	[sflag:s0] =	ssyncadd.remote.s32 $0x1  }
0xc2: {  	_ =	sfence.sel $0xFFFF  }
0xc3: {  	[dreg:$0x0] =	wrdreg $0xFFFFFFFF;
	(pc) =	sbr.abs _section_cstart, $3  }
0xc4: {  	[dreg:$0x1] =	wrdreg $0xFFFFFFFF  }
0xc5: {  	_ =	task.clear_ibuf [dreg:s9], $0x2FFFF;
	_ =	strace $0x9FFFFFFF  }
0xc6: {  	(tm) =	ssettm $0x7FFFFFFF  }
0xc7: {  	_ =	shalt  }
tec
execute0_lowered:
.L_overlay_start_1:
0x0: {  	(tag) =	ssettag $0x1  }
0x1: {  	s0 =	srdreg.scid  }
0x2: {  	s11 =	sand.u32 $0x1, s0;
	s0 =	stileid.u32  }
0x3: {  	s5 =	sshll.u32 s0, $0x1;
	s6 =	ssub.s32 $0x0, s11  }
0x4: {  	p0 =	sne.s32 s5, s6  }
.Ltmp0:
0x5: {  	s2 =	rddreg [dreg:$0x0];
	(pc) =	sbr.rel @p0 .LBB2_4-.Ltmp0, $4  }
0x6: {  	s3 =	rddreg [dreg:$0x1]  }
0x7: {  	s4 =	rddreg [dreg:$0x2]  }
0x8: {  	s10 =	rddreg [dreg:$0x3]  }
0x9: {  	s1 =	rddreg [dreg:$0x4];
	_ =	strace $0x80000047  }
0xa: {  	s6 =	simm.s32 $0x0;
	s5 =	simm.s32 $0x2  }
0xb: {  	[tilespmem:s6], [sflag:$0x2] =	stream.linear.gather [hbm4b:s2+s6], $0x80, $0x38;
	[tilespmem:$0x100] =	vst v63  }
0xc: {  	_ =	swait.ge [sflag:s5], $0x80  }
0xd: {  	[sflag:s5] =	ssyncset.done $0x0  }
0xe: {  	s7 =	simm.s32 $0x80;
	s8 =	simm.s32 $0x1;
	[sflag:s5] =	ssyncadd.s32 $0xFFFFFF80  }
0xf: {  	[tilespmem:s7], [sflag:$0x1] =	stream.indirect.gather [hbm4b:s3+s7], $0x1, s6, s7, $0xb8;
	[tilespmem:$0x100] =	vst v63  }
0x10: {  	_ =	swait.ge [sflag:s8], $0x80  }
0x11: {  	[sflag:s8] =	ssyncset.done $0x0  }
0x12: {  	s9 =	sadd.s32 $0x400, s10;
	s11 =	ssub.s32 $0x2, s11;
	[sflag:s8] =	ssyncadd.s32 $0xFFFFFF80  }
0x13: {  	[hbm4b:s9+s6] =	stream.linear.scatter [tilespmem:s7], [sflag:$0x2], $0x80, $0x38;
	[tilespmem:$0x100] =	vst v63  }
0x14: {  	s12 =	sshrl.u32 s11, $0x1;
	_ =	swait.ge [sflag:s5], $0x80  }
0x15: {  	s11 =	ssub.s32 s11, s12;
	[sflag:s5] =	ssyncset.done $0x0  }
0x16: {  	s11 =	smax.u32 s11, $0x1;
	[sflag:s5] =	ssyncadd.s32 $0xFFFFFF80  }
0x17: {  	[tilespmem:s7], [sflag:$0x1] =	stream.indirect.gather [hbm4b:s4+s7], $0x1, s6, s7, $0xb8;
	[tilespmem:$0x100] =	vst v63  }
0x18: {  	p0 =	sne.s32 s11, $0x1;
	_ =	swait.ge [sflag:s8], $0x80  }
.Ltmp1:
0x19: {  	[sflag:s8] =	ssyncset.done $0x0;
	(pc) =	sbr.rel @!p0 .LBB2_3-.Ltmp1, $4  }
0x1a: {  	s10 =	sadd.s32 $0x600, s10;
	[sflag:s8] =	ssyncadd.s32 $0xFFFFFF80  }
0x1b: {  	[hbm4b:s10+s6] =	stream.linear.scatter [tilespmem:s7], [sflag:$0x2], $0x80, $0x38;
	[tilespmem:$0x100] =	vst v63  }
0x1c: {  	_ =	swait.ge [sflag:s5], $0x80  }
0x1d: {  	s11 =	sadd.s32 $0xFFFFFFFF, s11;
	[sflag:s5] =	ssyncset.done $0x0  }
.LBB2_2:
0x1e: {  	p0 =	sne.s32 s11, $0x1;
	s11 =	sadd.s32 $0xFFFFFFFF, s11;
	[sflag:s5] =	ssyncadd.s32 $0xFFFFFF80  }
0x1f: {  	[tilespmem:s6], [sflag:$0x2] =	stream.linear.gather [hbm4b:s2+s6], $0x80, $0x38;
	[tilespmem:$0x100] =	vst v63  }
0x20: {  	_ =	swait.ge [sflag:s5], $0x80  }
0x21: {  	[sflag:s5] =	ssyncset.done $0x0  }
0x22: {  	[sflag:s5] =	ssyncadd.s32 $0xFFFFFF80  }
0x23: {  	[tilespmem:s7], [sflag:$0x1] =	stream.indirect.gather [hbm4b:s3+s7], $0x1, s6, s7, $0xb8;
	[tilespmem:$0x100] =	vst v63  }
0x24: {  	_ =	swait.ge [sflag:s8], $0x80  }
0x25: {  	[sflag:s8] =	ssyncset.done $0x0  }
0x26: {  	[sflag:s8] =	ssyncadd.s32 $0xFFFFFF80  }
0x27: {  	[hbm4b:s9+s6] =	stream.linear.scatter [tilespmem:s7], [sflag:$0x2], $0x80, $0x38;
	[tilespmem:$0x100] =	vst v63  }
0x28: {  	_ =	swait.ge [sflag:s5], $0x80  }
0x29: {  	[sflag:s5] =	ssyncset.done $0x0  }
0x2a: {  	[sflag:s5] =	ssyncadd.s32 $0xFFFFFF80  }
0x2b: {  	[tilespmem:s7], [sflag:$0x1] =	stream.indirect.gather [hbm4b:s4+s7], $0x1, s6, s7, $0xb8;
	[tilespmem:$0x100] =	vst v63  }
0x2c: {  	_ =	swait.ge [sflag:s8], $0x80  }
.Ltmp2:
0x2d: {  	[sflag:s8] =	ssyncset.done $0x0;
	(pc) =	sbr.rel @p0 .LBB2_2-.Ltmp2, $4  }
0x2e: {  	[sflag:s8] =	ssyncadd.s32 $0xFFFFFF80  }
0x2f: {  	[hbm4b:s10+s6] =	stream.linear.scatter [tilespmem:s7], [sflag:$0x2], $0x80, $0x38;
	[tilespmem:$0x100] =	vst v63  }
0x30: {  	_ =	swait.ge [sflag:s5], $0x80  }
0x31: {  	[sflag:s5] =	ssyncset.done $0x0  }
.LBB2_3:
0x32: {  	[sflag:s5] =	ssyncadd.s32 $0xFFFFFF80  }
.LBB2_4:
0x33: {  	_ =	sfence.sel $0x180000  }
0x34: {  	[bflag:$0x0] =	sbarrier.arrive $0xFFFF  }
0x35: {  	p0 =	sne.s32 s0, $0x0;
	_ =	strace $0x90000047  }
0x36: {  	s0 =	sadd.s32 @!p0 $0x100000, s1;
	[bflag:$0x2] =	sbarrier.arrive $0xFFFF  }
0x37: {  	[sflag:s0] =	ssyncadd.tile.s32 @!p0 $0x1;
	_ =	shalt  }
.Lfunc_end2:
_tile_overlayer_lowered:
.L_overlay_start_2:
0x38: {  	(tag) =	ssettag $0x2  }
0x39: {  	s0 =	rddreg [dreg:$0x0];
	s2 =	stileid.u32  }
0x3a: {  	s1 =	rddreg [dreg:$0x1];
	p0 =	sne.s32 s2, $0x0  }
0x3b: {  	s3 =	rddreg [dreg:$0x2];
	[bflag:$0x3] =	sbarrier.arrive $0xFFFF;
	s2 =	simm.s32 @!p0 $0x1C02  }
0x3c: {  	[timem:s3], [sflag:s2] =	dma.local @!p0 [hbm:s0], s1  }
0x3d: {  	s0 =	simm.s32 @!p0 $0x2  }
0x3e: {  	_ =	swait.ge @!p0 [sflag:s0], s1  }
0x3f: {  	s1 =	ssub.s32 @!p0 $0x0, s1;
	[sflag:s0] =	ssyncset.done @!p0 $0x0  }
0x40: {  	[sflag:s0] =	ssyncadd.s32 @!p0 s1  }
0x41: {  	[bflag:$0x3] =	sbarrier.arrive $0xFFFF  }
0x42: {  	_ =	shalt  }

</sc_bundles>
